<compile_context>
chip_gen: v7x
topology: tpu7x:2x2x1
jax: 0.10.2.dev20260603
libtpu: 0.0.44.dev20260713+nightly
codegen_flags: <defaults>
</compile_context>

<pallas_src>
import functools

import jax
import jax.numpy as jnp
from jax import lax
from jax.experimental import pallas as pl
from jax.experimental.pallas import tpu as pltpu
from jax.experimental.pallas import tpu_sc as plsc

_B, _M, _DF = 8, 8192, 64
_S = 512
_N = _B * _M
_EPS = 1e-5
_K = 64


def _topk_kernel(q_ref, idx_ref, qs):
    rblk = q_ref.shape[0]
    qs[...] = jax.nn.sigmoid(q_ref[...])
    col = lax.broadcasted_iota(jnp.int32, (rblk, _M), 1)
    out_col = lax.broadcasted_iota(jnp.int32, (rblk, _K), 1)

    def step(k, acc):
        q = qs[...]
        mx = jnp.max(q, axis=1, keepdims=True)
        sel = jnp.min(jnp.where(q >= mx, col, _M), axis=1, keepdims=True)
        qs[...] = jnp.where(col == sel, -1.0, q)
        return jnp.where(out_col == k, sel, acc)

    idx_ref[...] = lax.fori_loop(0, _K, step, jnp.zeros((rblk, _K), jnp.int32))


def _topk(q, rblk=256):
    r = q.shape[0]
    return pl.pallas_call(
        _topk_kernel,
        grid=(r // rblk,),
        in_specs=[pl.BlockSpec((rblk, _M), lambda i: (i, 0))],
        out_specs=pl.BlockSpec((rblk, _K), lambda i: (i, 0)),
        out_shape=jax.ShapeDtypeStruct((r, _K), jnp.int32),
        scratch_shapes=[pltpu.VMEM((rblk, _M), jnp.float32)],
    )(q)


def _sc_gather(tbl, idx):
    v, d = tbl.shape
    nb = idx.shape[0]
    info = plsc.get_sparse_core_info()
    nw = info.num_cores * info.num_subcores
    b_per_w = nb // nw
    chunk = 512
    nchunk = b_per_w // chunk
    mesh = plsc.VectorSubcoreMesh(core_axis_name="c", subcore_axis_name="s")

    @functools.partial(
        pl.kernel,
        mesh=mesh,
        out_type=jax.ShapeDtypeStruct((nb, d), jnp.float32),
        scratch_types=[
            pltpu.VMEM((chunk,), jnp.int32),
            pltpu.VMEM((chunk, d), jnp.float32),
            pltpu.SemaphoreType.DMA,
        ],
    )
    def k(tbl_hbm, idx_hbm, out_hbm, idx_v, rows_v, sem):
        wid = lax.axis_index("s") * info.num_cores + lax.axis_index("c")
        base = wid * b_per_w
        for ci in range(nchunk):
            off = base + ci * chunk
            pltpu.sync_copy(idx_hbm.at[pl.ds(off, chunk)], idx_v)
            pltpu.async_copy(tbl_hbm.at[idx_v], rows_v, sem).wait()
            pltpu.sync_copy(rows_v, out_hbm.at[pl.ds(off, chunk)])

    return k(tbl, idx)


def _conv1d(x, w, b):
    return jnp.einsum('oi,bim->bom', w, x) + b[None, :, None]


def _bn_pair(z):
    mean = jnp.mean(z, axis=(0, 2), keepdims=True)
    var = jnp.var(z, axis=(0, 2), keepdims=True)
    return mean[0], jnp.sqrt(var + _EPS)[0]


def _prefix_h2(coordinate, W0, b0, g0, be0, W1, b1, g1, be1, W2, b2, g2, be2):
    x = jnp.transpose(coordinate, (0, 2, 1))

    def bn(z, g, be):
        mean = jnp.mean(z, axis=(0, 2), keepdims=True)
        var = jnp.var(z, axis=(0, 2), keepdims=True)
        xh = (z - mean) / jnp.sqrt(var + _EPS)
        return xh * g[None, :, None] + be[None, :, None]

    x = jax.nn.relu(bn(_conv1d(x, W0, b0), g0, be0))
    x = jax.nn.relu(bn(_conv1d(x, W1, b1), g1, be1))
    x = jax.nn.relu(bn(_conv1d(x, W2, b2), g2, be2))
    return x


def kernel(coordinate, feature, W0, b0, g0, be0, W1, b1, g1, be1,
           W2, b2, g2, be2, W3, b3):
    h2 = _prefix_h2(coordinate, W0, b0, g0, be0, W1, b1, g1, be1, W2, b2, g2, be2)
    logits = _conv1d(h2, W3, b3)

    idx = _topk(logits.reshape(_B * _S, _M))

    gidx = (idx.reshape(_B, _S * _K)
            + (jnp.arange(_B, dtype=jnp.int32) * _M)[:, None]).reshape(-1)
    coord_pad = jnp.concatenate(
        [coordinate.reshape(_N, 3),
         jnp.zeros((_N, 61), jnp.float32)], axis=1)
    tbl = jnp.concatenate([coord_pad, feature.reshape(_N, _DF)], axis=1)
    rows = _sc_gather(tbl, gidx).reshape(_B, _S, _K, 64 + _DF)

    gp64 = rows[..., :3]
    gf64 = rows[..., 64:]
    return (gp64[:, :, 0, :], gp64[:, :, :32, :], gp64,
            gf64[:, :, 0, :], gf64[:, :, :32, :], gf64)

# --- scband reference (transcript-rebuilt; emitter-appended) ---
"""Pipeline reference for scband-point-sampling-net-msg-14637248545010 (READ-ONLY COPY).

The authoritative reference and input builder live on the scoring server;
editing this copy changes nothing except your own understanding.
"""

import jax, jax.numpy as jnp
import numpy as np

B, M, D_FEAT = 8, 8192, 64
S = 512
MSG_N = [32, 64]
MLP = [32, 64, 256]
N_MAX = max(MSG_N)
EPS = 1e-5


def setup_inputs(seed: int = 0) -> dict:
    key = jax.random.key(seed)
    ks = jax.random.split(key, 12)
    inp = {}
    inp['coordinate'] = jax.random.normal(ks[0], (B, M, 3), dtype=jnp.float32)
    inp['feature'] = jax.random.normal(ks[1], (B, M, D_FEAT), dtype=jnp.float32)
    # conv1d (kernel_size=1) weights: W[out,in], b[out]; BN affine params
    dims = [3] + MLP  # [3, 32, 64, 256]
    for i in range(3):
        inp[f'W{i}'] = jax.random.normal(ks[2 + i], (dims[i + 1], dims[i]), dtype=jnp.float32) * (1.0 / np.sqrt(dims[i]))
        inp[f'b{i}'] = jnp.zeros((dims[i + 1],), dtype=jnp.float32)
        inp[f'g{i}'] = jnp.ones((dims[i + 1],), dtype=jnp.float32)
        inp[f'be{i}'] = jnp.zeros((dims[i + 1],), dtype=jnp.float32)
    inp['W3'] = jax.random.normal(ks[10], (S, MLP[-1]), dtype=jnp.float32) * (1.0 / np.sqrt(MLP[-1]))
    inp['b3'] = jnp.zeros((S,), dtype=jnp.float32)
    return inp


def _conv1d(x, W, b):
    # x: [B, Cin, M], W: [Cout, Cin]
    return jnp.einsum('oi,bim->bom', W, x) + b[None, :, None]


def _bn(x, g, be):
    # training-mode batchnorm over (batch, spatial) per channel
    mean = jnp.mean(x, axis=(0, 2), keepdims=True)
    var = jnp.var(x, axis=(0, 2), keepdims=True)
    xh = (x - mean) / jnp.sqrt(var + EPS)
    return xh * g[None, :, None] + be[None, :, None]


def _index_points(points, idx):
    # points: [B, M, C]; idx: [B, S, n] -> [B, S, n, C]
    return jax.vmap(lambda pts, ii: pts[ii])(points, idx)


def reference(coordinate, feature, W0, b0, g0, be0, W1, b1, g1, be1, W2, b2, g2, be2, W3, b3):
    x = jnp.transpose(coordinate, (0, 2, 1))  # [B, 3, M]
    x = jax.nn.relu(_bn(_conv1d(x, W0, b0), g0, be0))
    x = jax.nn.relu(_bn(_conv1d(x, W1, b1), g1, be1))
    x = jax.nn.relu(_bn(_conv1d(x, W2, b2), g2, be2))
    x = _conv1d(x, W3, b3)  # [B, S, M]
    Q = jax.nn.sigmoid(x)
    indices = jnp.argsort(-Q, axis=2)  # descending sort along point axis
    grouped_indices = indices[:, :, :N_MAX]  # [B, S, N_MAX]
    gp = _index_points(coordinate, grouped_indices)  # [B, S, N_MAX, 3]
    gf = _index_points(feature, grouped_indices)  # [B, S, N_MAX, D_FEAT]
    grouped_points_msg = [gp[:, :, :n, :] for n in MSG_N]
    grouped_feature_msg = [gf[:, :, :n, :] for n in MSG_N]
    # train=False branch
    sampled_points = grouped_points_msg[0][:, :, 0, :]
    sampled_feature = grouped_feature_msg[-1][:, :, 0, :]
    return (sampled_points, grouped_points_msg[0], grouped_points_msg[1], sampled_feature, grouped_feature_msg[0], grouped_feature_msg[1])

if __name__ == "__main__":
    import jax
    _d = setup_inputs()
    print(jax.jit(kernel)(*tuple(_d.values())))

</pallas_src>

<mosaic_0001>
#map = affine_map<(d0, d1) -> (0, 0)>
#map1 = affine_map<(d0, d1) -> (0)>
module attributes {stable_mosaic.version = 14 : i64} {
  func.func @k(%arg0: i32, %arg1: i32, %arg2: memref<65536x128xf32, #tpu.memory_space<hbm>>, %arg3: memref<262144xi32, #tpu.memory_space<hbm>>, %arg4: memref<262144x128xf32, #tpu.memory_space<hbm>>, %arg5: memref<512xi32, #tpu.memory_space<vmem>>, %arg6: memref<512x128xf32, #tpu.memory_space<vmem>>, %arg7: memref<!tpu.dma_semaphore, #tpu.memory_space<semaphore_mem>>) attributes {dimension_semantics = [#tpu.dimension_semantics<core_parallel>, #tpu.dimension_semantics<subcore_parallel>], iteration_bounds = array<i64: 2, 16>, scalar_prefetch = 0 : i64, scratch_operands = 3 : i64, tpu.core_type = #tpu.core_type<sc_vector_subcore>, window_params = [{transform_indices = #map}, {transform_indices = #map1}, {transform_indices = #map}]} {
    %mul3A = arith.constant 2 : i32
    %mul3A_0 = arith.muli %arg1, %mul3A : i32
    %add3A = arith.addi %mul3A_0, %arg0 : i32
    %mul3A_1 = arith.constant 8192 : i32
    %mul3A_2 = arith.muli %add3A, %mul3A_1 : i32
    %add3A_3 = arith.constant 0 : i32
    %add3A_4 = arith.addi %mul3A_2, %add3A_3 : i32
    "tpu.region"() ({
      %run_scoped3A = tpu.sem_alloc : memref<!tpu.dma_semaphore, #tpu.memory_space<semaphore_mem>>
      %dma_start3A_129 = tpu.memref_slice %arg3[%add3A_4] : memref<262144xi32, #tpu.memory_space<hbm>> -> memref<512xi32, #tpu.memory_space<hbm>>
      %dma_start3A_130 = tpu.memref_slice %arg3[%add3A_4] : memref<262144xi32, #tpu.memory_space<hbm>> -> memref<512xi32, #tpu.memory_space<hbm>>
      tpu.enqueue_dma source(%dma_start3A_130 : memref<512xi32, #tpu.memory_space<hbm>>) target(%arg5 : memref<512xi32, #tpu.memory_space<vmem>>) target_semaphore(%run_scoped3A : memref<!tpu.dma_semaphore, #tpu.memory_space<semaphore_mem>>)
      %dma_wait3A_131 = tpu.memref_slice %arg3[%add3A_4] : memref<262144xi32, #tpu.memory_space<hbm>> -> memref<512xi32, #tpu.memory_space<hbm>>
      %dma_wait3A_132 = tpu.memref_slice %arg3[%add3A_4] : memref<262144xi32, #tpu.memory_space<hbm>> -> memref<512xi32, #tpu.memory_space<hbm>>
      tpu.wait_dma2 semaphore(%run_scoped3A : memref<!tpu.dma_semaphore, #tpu.memory_space<semaphore_mem>>) src(%dma_wait3A_132 : memref<512xi32, #tpu.memory_space<hbm>>) dst(%arg5 : memref<512xi32, #tpu.memory_space<vmem>>)
      tpu.yield
    }) : () -> ()
    %dma_start3A = arith.constant 0 : i32
    %dma_start3A_5 = arith.constant 0 : i32
    %dma_start3A_6 = tpu.memref_slice %arg2[%dma_start3A, %dma_start3A_5] : memref<65536x128xf32, #tpu.memory_space<hbm>> -> memref<65536x128xf32, #tpu.memory_space<hbm>>
    tpu.enqueue_indirect_dma source(%dma_start3A_6 : memref<65536x128xf32, #tpu.memory_space<hbm>>) target(%arg6 : memref<512x128xf32, #tpu.memory_space<vmem>>) offsets(%arg5 : memref<512xi32, #tpu.memory_space<vmem>>) semaphore(%arg7 : memref<!tpu.dma_semaphore, #tpu.memory_space<semaphore_mem>>)
    %dma_wait3A = arith.constant 0 : i32
    %dma_wait3A_7 = arith.constant 0 : i32
    %dma_wait3A_8 = tpu.memref_slice %arg2[%dma_wait3A, %dma_wait3A_7] : memref<65536x128xf32, #tpu.memory_space<hbm>> -> memref<65536x128xf32, #tpu.memory_space<hbm>>
    tpu.wait_indirect_dma semaphore(%arg7 : memref<!tpu.dma_semaphore, #tpu.memory_space<semaphore_mem>>) src(%dma_wait3A_8 : memref<65536x128xf32, #tpu.memory_space<hbm>>) dst(%arg6 : memref<512x128xf32, #tpu.memory_space<vmem>>)
    "tpu.region"() ({
      %run_scoped3A = tpu.sem_alloc : memref<!tpu.dma_semaphore, #tpu.memory_space<semaphore_mem>>
      %dma_start3A_129 = arith.constant 0 : i32
      %dma_start3A_130 = tpu.memref_slice %arg4[%add3A_4, %dma_start3A_129] : memref<262144x128xf32, #tpu.memory_space<hbm>> -> memref<512x128xf32, #tpu.memory_space<hbm>>
      %dma_start3A_131 = arith.constant 0 : i32
      %dma_start3A_132 = tpu.memref_slice %arg4[%add3A_4, %dma_start3A_131] : memref<262144x128xf32, #tpu.memory_space<hbm>> -> memref<512x128xf32, #tpu.memory_space<hbm>>
      tpu.enqueue_dma source(%arg6 : memref<512x128xf32, #tpu.memory_space<vmem>>) target(%dma_start3A_132 : memref<512x128xf32, #tpu.memory_space<hbm>>) target_semaphore(%run_scoped3A : memref<!tpu.dma_semaphore, #tpu.memory_space<semaphore_mem>>)
      %dma_wait3A_133 = arith.constant 0 : i32
      %dma_wait3A_134 = tpu.memref_slice %arg4[%add3A_4, %dma_wait3A_133] : memref<262144x128xf32, #tpu.memory_space<hbm>> -> memref<512x128xf32, #tpu.memory_space<hbm>>
      %dma_wait3A_135 = arith.constant 0 : i32
      %dma_wait3A_136 = tpu.memref_slice %arg4[%add3A_4, %dma_wait3A_135] : memref<262144x128xf32, #tpu.memory_space<hbm>> -> memref<512x128xf32, #tpu.memory_space<hbm>>
      tpu.wait_dma2 semaphore(%run_scoped3A : memref<!tpu.dma_semaphore, #tpu.memory_space<semaphore_mem>>) src(%arg6 : memref<512x128xf32, #tpu.memory_space<vmem>>) dst(%dma_wait3A_136 : memref<512x128xf32, #tpu.memory_space<hbm>>)
      tpu.yield
    }) : () -> ()
    %add3A_9 = arith.constant 512 : i32
    %add3A_10 = arith.addi %mul3A_2, %add3A_9 : i32
    "tpu.region"() ({
      %run_scoped3A = tpu.sem_alloc : memref<!tpu.dma_semaphore, #tpu.memory_space<semaphore_mem>>
      %dma_start3A_129 = tpu.memref_slice %arg3[%add3A_10] : memref<262144xi32, #tpu.memory_space<hbm>> -> memref<512xi32, #tpu.memory_space<hbm>>
      %dma_start3A_130 = tpu.memref_slice %arg3[%add3A_10] : memref<262144xi32, #tpu.memory_space<hbm>> -> memref<512xi32, #tpu.memory_space<hbm>>
      tpu.enqueue_dma source(%dma_start3A_130 : memref<512xi32, #tpu.memory_space<hbm>>) target(%arg5 : memref<512xi32, #tpu.memory_space<vmem>>) target_semaphore(%run_scoped3A : memref<!tpu.dma_semaphore, #tpu.memory_space<semaphore_mem>>)
      %dma_wait3A_131 = tpu.memref_slice %arg3[%add3A_10] : memref<262144xi32, #tpu.memory_space<hbm>> -> memref<512xi32, #tpu.memory_space<hbm>>
      %dma_wait3A_132 = tpu.memref_slice %arg3[%add3A_10] : memref<262144xi32, #tpu.memory_space<hbm>> -> memref<512xi32, #tpu.memory_space<hbm>>
      tpu.wait_dma2 semaphore(%run_scoped3A : memref<!tpu.dma_semaphore, #tpu.memory_space<semaphore_mem>>) src(%dma_wait3A_132 : memref<512xi32, #tpu.memory_space<hbm>>) dst(%arg5 : memref<512xi32, #tpu.memory_space<vmem>>)
      tpu.yield
    }) : () -> ()
    %dma_start3A_11 = arith.constant 0 : i32
    %dma_start3A_12 = arith.constant 0 : i32
    %dma_start3A_13 = tpu.memref_slice %arg2[%dma_start3A_11, %dma_start3A_12] : memref<65536x128xf32, #tpu.memory_space<hbm>> -> memref<65536x128xf32, #tpu.memory_space<hbm>>
    tpu.enqueue_indirect_dma source(%dma_start3A_13 : memref<65536x128xf32, #tpu.memory_space<hbm>>) target(%arg6 : memref<512x128xf32, #tpu.memory_space<vmem>>) offsets(%arg5 : memref<512xi32, #tpu.memory_space<vmem>>) semaphore(%arg7 : memref<!tpu.dma_semaphore, #tpu.memory_space<semaphore_mem>>)
    %dma_wait3A_14 = arith.constant 0 : i32
    %dma_wait3A_15 = arith.constant 0 : i32
    %dma_wait3A_16 = tpu.memref_slice %arg2[%dma_wait3A_14, %dma_wait3A_15] : memref<65536x128xf32, #tpu.memory_space<hbm>> -> memref<65536x128xf32, #tpu.memory_space<hbm>>
    tpu.wait_indirect_dma semaphore(%arg7 : memref<!tpu.dma_semaphore, #tpu.memory_space<semaphore_mem>>) src(%dma_wait3A_16 : memref<65536x128xf32, #tpu.memory_space<hbm>>) dst(%arg6 : memref<512x128xf32, #tpu.memory_space<vmem>>)
    "tpu.region"() ({
      %run_scoped3A = tpu.sem_alloc : memref<!tpu.dma_semaphore, #tpu.memory_space<semaphore_mem>>
      %dma_start3A_129 = arith.constant 0 : i32
      %dma_start3A_130 = tpu.memref_slice %arg4[%add3A_10, %dma_start3A_129] : memref<262144x128xf32, #tpu.memory_space<hbm>> -> memref<512x128xf32, #tpu.memory_space<hbm>>
      %dma_start3A_131 = arith.constant 0 : i32
      %dma_start3A_132 = tpu.memref_slice %arg4[%add3A_10, %dma_start3A_131] : memref<262144x128xf32, #tpu.memory_space<hbm>> -> memref<512x128xf32, #tpu.memory_space<hbm>>
      tpu.enqueue_dma source(%arg6 : memref<512x128xf32, #tpu.memory_space<vmem>>) target(%dma_start3A_132 : memref<512x128xf32, #tpu.memory_space<hbm>>) target_semaphore(%run_scoped3A : memref<!tpu.dma_semaphore, #tpu.memory_space<semaphore_mem>>)
      %dma_wait3A_133 = arith.constant 0 : i32
      %dma_wait3A_134 = tpu.memref_slice %arg4[%add3A_10, %dma_wait3A_133] : memref<262144x128xf32, #tpu.memory_space<hbm>> -> memref<512x128xf32, #tpu.memory_space<hbm>>
      %dma_wait3A_135 = arith.constant 0 : i32
      %dma_wait3A_136 = tpu.memref_slice %arg4[%add3A_10, %dma_wait3A_135] : memref<262144x128xf32, #tpu.memory_space<hbm>> -> memref<512x128xf32, #tpu.memory_space<hbm>>
      tpu.wait_dma2 semaphore(%run_scoped3A : memref<!tpu.dma_semaphore, #tpu.memory_space<semaphore_mem>>) src(%arg6 : memref<512x128xf32, #tpu.memory_space<vmem>>) dst(%dma_wait3A_136 : memref<512x128xf32, #tpu.memory_space<hbm>>)
      tpu.yield
    }) : () -> ()
    %add3A_17 = arith.constant 1024 : i32
    %add3A_18 = arith.addi %mul3A_2, %add3A_17 : i32
    "tpu.region"() ({
      %run_scoped3A = tpu.sem_alloc : memref<!tpu.dma_semaphore, #tpu.memory_space<semaphore_mem>>
      %dma_start3A_129 = tpu.memref_slice %arg3[%add3A_18] : memref<262144xi32, #tpu.memory_space<hbm>> -> memref<512xi32, #tpu.memory_space<hbm>>
      %dma_start3A_130 = tpu.memref_slice %arg3[%add3A_18] : memref<262144xi32, #tpu.memory_space<hbm>> -> memref<512xi32, #tpu.memory_space<hbm>>
      tpu.enqueue_dma source(%dma_start3A_130 : memref<512xi32, #tpu.memory_space<hbm>>) target(%arg5 : memref<512xi32, #tpu.memory_space<vmem>>) target_semaphore(%run_scoped3A : memref<!tpu.dma_semaphore, #tpu.memory_space<semaphore_mem>>)
      %dma_wait3A_131 = tpu.memref_slice %arg3[%add3A_18] : memref<262144xi32, #tpu.memory_space<hbm>> -> memref<512xi32, #tpu.memory_space<hbm>>
      %dma_wait3A_132 = tpu.memref_slice %arg3[%add3A_18] : memref<262144xi32, #tpu.memory_space<hbm>> -> memref<512xi32, #tpu.memory_space<hbm>>
      tpu.wait_dma2 semaphore(%run_scoped3A : memref<!tpu.dma_semaphore, #tpu.memory_space<semaphore_mem>>) src(%dma_wait3A_132 : memref<512xi32, #tpu.memory_space<hbm>>) dst(%arg5 : memref<512xi32, #tpu.memory_space<vmem>>)
      tpu.yield
    }) : () -> ()
    %dma_start3A_19 = arith.constant 0 : i32
    %dma_start3A_20 = arith.constant 0 : i32
    %dma_start3A_21 = tpu.memref_slice %arg2[%dma_start3A_19, %dma_start3A_20] : memref<65536x128xf32, #tpu.memory_space<hbm>> -> memref<65536x128xf32, #tpu.memory_space<hbm>>
    tpu.enqueue_indirect_dma source(%dma_start3A_21 : memref<65536x128xf32, #tpu.memory_space<hbm>>) target(%arg6 : memref<512x128xf32, #tpu.memory_space<vmem>>) offsets(%arg5 : memref<512xi32, #tpu.memory_space<vmem>>) semaphore(%arg7 : memref<!tpu.dma_semaphore, #tpu.memory_space<semaphore_mem>>)
    %dma_wait3A_22 = arith.constant 0 : i32
    %dma_wait3A_23 = arith.constant 0 : i32
    %dma_wait3A_24 = tpu.memref_slice %arg2[%dma_wait3A_22, %dma_wait3A_23] : memref<65536x128xf32, #tpu.memory_space<hbm>> -> memref<65536x128xf32, #tpu.memory_space<hbm>>
    tpu.wait_indirect_dma semaphore(%arg7 : memref<!tpu.dma_semaphore, #tpu.memory_space<semaphore_mem>>) src(%dma_wait3A_24 : memref<65536x128xf32, #tpu.memory_space<hbm>>) dst(%arg6 : memref<512x128xf32, #tpu.memory_space<vmem>>)
    "tpu.region"() ({
      %run_scoped3A = tpu.sem_alloc : memref<!tpu.dma_semaphore, #tpu.memory_space<semaphore_mem>>
      %dma_start3A_129 = arith.constant 0 : i32
      %dma_start3A_130 = tpu.memref_slice %arg4[%add3A_18, %dma_start3A_129] : memref<262144x128xf32, #tpu.memory_space<hbm>> -> memref<512x128xf32, #tpu.memory_space<hbm>>
      %dma_start3A_131 = arith.constant 0 : i32
      %dma_start3A_132 = tpu.memref_slice %arg4[%add3A_18, %dma_start3A_131] : memref<262144x128xf32, #tpu.memory_space<hbm>> -> memref<512x128xf32, #tpu.memory_space<hbm>>
      tpu.enqueue_dma source(%arg6 : memref<512x128xf32, #tpu.memory_space<vmem>>) target(%dma_start3A_132 : memref<512x128xf32, #tpu.memory_space<hbm>>) target_semaphore(%run_scoped3A : memref<!tpu.dma_semaphore, #tpu.memory_space<semaphore_mem>>)
      %dma_wait3A_133 = arith.constant 0 : i32
      %dma_wait3A_134 = tpu.memref_slice %arg4[%add3A_18, %dma_wait3A_133] : memref<262144x128xf32, #tpu.memory_space<hbm>> -> memref<512x128xf32, #tpu.memory_space<hbm>>
      %dma_wait3A_135 = arith.constant 0 : i32
      %dma_wait3A_136 = tpu.memref_slice %arg4[%add3A_18, %dma_wait3A_135] : memref<262144x128xf32, #tpu.memory_space<hbm>> -> memref<512x128xf32, #tpu.memory_space<hbm>>
      tpu.wait_dma2 semaphore(%run_scoped3A : memref<!tpu.dma_semaphore, #tpu.memory_space<semaphore_mem>>) src(%arg6 : memref<512x128xf32, #tpu.memory_space<vmem>>) dst(%dma_wait3A_136 : memref<512x128xf32, #tpu.memory_space<hbm>>)
      tpu.yield
    }) : () -> ()
    %add3A_25 = arith.constant 1536 : i32
    %add3A_26 = arith.addi %mul3A_2, %add3A_25 : i32
    "tpu.region"() ({
      %run_scoped3A = tpu.sem_alloc : memref<!tpu.dma_semaphore, #tpu.memory_space<semaphore_mem>>
      %dma_start3A_129 = tpu.memref_slice %arg3[%add3A_26] : memref<262144xi32, #tpu.memory_space<hbm>> -> memref<512xi32, #tpu.memory_space<hbm>>
      %dma_start3A_130 = tpu.memref_slice %arg3[%add3A_26] : memref<262144xi32, #tpu.memory_space<hbm>> -> memref<512xi32, #tpu.memory_space<hbm>>
      tpu.enqueue_dma source(%dma_start3A_130 : memref<512xi32, #tpu.memory_space<hbm>>) target(%arg5 : memref<512xi32, #tpu.memory_space<vmem>>) target_semaphore(%run_scoped3A : memref<!tpu.dma_semaphore, #tpu.memory_space<semaphore_mem>>)
      %dma_wait3A_131 = tpu.memref_slice %arg3[%add3A_26] : memref<262144xi32, #tpu.memory_space<hbm>> -> memref<512xi32, #tpu.memory_space<hbm>>
      %dma_wait3A_132 = tpu.memref_slice %arg3[%add3A_26] : memref<262144xi32, #tpu.memory_space<hbm>> -> memref<512xi32, #tpu.memory_space<hbm>>
      tpu.wait_dma2 semaphore(%run_scoped3A : memref<!tpu.dma_semaphore, #tpu.memory_space<semaphore_mem>>) src(%dma_wait3A_132 : memref<512xi32, #tpu.memory_space<hbm>>) dst(%arg5 : memref<512xi32, #tpu.memory_space<vmem>>)
      tpu.yield
    }) : () -> ()
    %dma_start3A_27 = arith.constant 0 : i32
    %dma_start3A_28 = arith.constant 0 : i32
    %dma_start3A_29 = tpu.memref_slice %arg2[%dma_start3A_27, %dma_start3A_28] : memref<65536x128xf32, #tpu.memory_space<hbm>> -> memref<65536x128xf32, #tpu.memory_space<hbm>>
    tpu.enqueue_indirect_dma source(%dma_start3A_29 : memref<65536x128xf32, #tpu.memory_space<hbm>>) target(%arg6 : memref<512x128xf32, #tpu.memory_space<vmem>>) offsets(%arg5 : memref<512xi32, #tpu.memory_space<vmem>>) semaphore(%arg7 : memref<!tpu.dma_semaphore, #tpu.memory_space<semaphore_mem>>)
    %dma_wait3A_30 = arith.constant 0 : i32
    %dma_wait3A_31 = arith.constant 0 : i32
    %dma_wait3A_32 = tpu.memref_slice %arg2[%dma_wait3A_30, %dma_wait3A_31] : memref<65536x128xf32, #tpu.memory_space<hbm>> -> memref<65536x128xf32, #tpu.memory_space<hbm>>
    tpu.wait_indirect_dma semaphore(%arg7 : memref<!tpu.dma_semaphore, #tpu.memory_space<semaphore_mem>>) src(%dma_wait3A_32 : memref<65536x128xf32, #tpu.memory_space<hbm>>) dst(%arg6 : memref<512x128xf32, #tpu.memory_space<vmem>>)
    "tpu.region"() ({
      %run_scoped3A = tpu.sem_alloc : memref<!tpu.dma_semaphore, #tpu.memory_space<semaphore_mem>>
      %dma_start3A_129 = arith.constant 0 : i32
      %dma_start3A_130 = tpu.memref_slice %arg4[%add3A_26, %dma_start3A_129] : memref<262144x128xf32, #tpu.memory_space<hbm>> -> memref<512x128xf32, #tpu.memory_space<hbm>>
      %dma_start3A_131 = arith.constant 0 : i32
      %dma_start3A_132 = tpu.memref_slice %arg4[%add3A_26, %dma_start3A_131] : memref<262144x128xf32, #tpu.memory_space<hbm>> -> memref<512x128xf32, #tpu.memory_space<hbm>>
      tpu.enqueue_dma source(%arg6 : memref<512x128xf32, #tpu.memory_space<vmem>>) target(%dma_start3A_132 : memref<512x128xf32, #tpu.memory_space<hbm>>) target_semaphore(%run_scoped3A : memref<!tpu.dma_semaphore, #tpu.memory_space<semaphore_mem>>)
      %dma_wait3A_133 = arith.constant 0 : i32
      %dma_wait3A_134 = tpu.memref_slice %arg4[%add3A_26, %dma_wait3A_133] : memref<262144x128xf32, #tpu.memory_space<hbm>> -> memref<512x128xf32, #tpu.memory_space<hbm>>
      %dma_wait3A_135 = arith.constant 0 : i32
      %dma_wait3A_136 = tpu.memref_slice %arg4[%add3A_26, %dma_wait3A_135] : memref<262144x128xf32, #tpu.memory_space<hbm>> -> memref<512x128xf32, #tpu.memory_space<hbm>>
      tpu.wait_dma2 semaphore(%run_scoped3A : memref<!tpu.dma_semaphore, #tpu.memory_space<semaphore_mem>>) src(%arg6 : memref<512x128xf32, #tpu.memory_space<vmem>>) dst(%dma_wait3A_136 : memref<512x128xf32, #tpu.memory_space<hbm>>)
      tpu.yield
    }) : () -> ()
    %add3A_33 = arith.constant 2048 : i32
    %add3A_34 = arith.addi %mul3A_2, %add3A_33 : i32
    "tpu.region"() ({
      %run_scoped3A = tpu.sem_alloc : memref<!tpu.dma_semaphore, #tpu.memory_space<semaphore_mem>>
      %dma_start3A_129 = tpu.memref_slice %arg3[%add3A_34] : memref<262144xi32, #tpu.memory_space<hbm>> -> memref<512xi32, #tpu.memory_space<hbm>>
      %dma_start3A_130 = tpu.memref_slice %arg3[%add3A_34] : memref<262144xi32, #tpu.memory_space<hbm>> -> memref<512xi32, #tpu.memory_space<hbm>>
      tpu.enqueue_dma source(%dma_start3A_130 : memref<512xi32, #tpu.memory_space<hbm>>) target(%arg5 : memref<512xi32, #tpu.memory_space<vmem>>) target_semaphore(%run_scoped3A : memref<!tpu.dma_semaphore, #tpu.memory_space<semaphore_mem>>)
      %dma_wait3A_131 = tpu.memref_slice %arg3[%add3A_34] : memref<262144xi32, #tpu.memory_space<hbm>> -> memref<512xi32, #tpu.memory_space<hbm>>
      %dma_wait3A_132 = tpu.memref_slice %arg3[%add3A_34] : memref<262144xi32, #tpu.memory_space<hbm>> -> memref<512xi32, #tpu.memory_space<hbm>>
      tpu.wait_dma2 semaphore(%run_scoped3A : memref<!tpu.dma_semaphore, #tpu.memory_space<semaphore_mem>>) src(%dma_wait3A_132 : memref<512xi32, #tpu.memory_space<hbm>>) dst(%arg5 : memref<512xi32, #tpu.memory_space<vmem>>)
      tpu.yield
    }) : () -> ()
    %dma_start3A_35 = arith.constant 0 : i32
    %dma_start3A_36 = arith.constant 0 : i32
    %dma_start3A_37 = tpu.memref_slice %arg2[%dma_start3A_35, %dma_start3A_36] : memref<65536x128xf32, #tpu.memory_space<hbm>> -> memref<65536x128xf32, #tpu.memory_space<hbm>>
    tpu.enqueue_indirect_dma source(%dma_start3A_37 : memref<65536x128xf32, #tpu.memory_space<hbm>>) target(%arg6 : memref<512x128xf32, #tpu.memory_space<vmem>>) offsets(%arg5 : memref<512xi32, #tpu.memory_space<vmem>>) semaphore(%arg7 : memref<!tpu.dma_semaphore, #tpu.memory_space<semaphore_mem>>)
    %dma_wait3A_38 = arith.constant 0 : i32
    %dma_wait3A_39 = arith.constant 0 : i32
    %dma_wait3A_40 = tpu.memref_slice %arg2[%dma_wait3A_38, %dma_wait3A_39] : memref<65536x128xf32, #tpu.memory_space<hbm>> -> memref<65536x128xf32, #tpu.memory_space<hbm>>
    tpu.wait_indirect_dma semaphore(%arg7 : memref<!tpu.dma_semaphore, #tpu.memory_space<semaphore_mem>>) src(%dma_wait3A_40 : memref<65536x128xf32, #tpu.memory_space<hbm>>) dst(%arg6 : memref<512x128xf32, #tpu.memory_space<vmem>>)
    "tpu.region"() ({
      %run_scoped3A = tpu.sem_alloc : memref<!tpu.dma_semaphore, #tpu.memory_space<semaphore_mem>>
      %dma_start3A_129 = arith.constant 0 : i32
      %dma_start3A_130 = tpu.memref_slice %arg4[%add3A_34, %dma_start3A_129] : memref<262144x128xf32, #tpu.memory_space<hbm>> -> memref<512x128xf32, #tpu.memory_space<hbm>>
      %dma_start3A_131 = arith.constant 0 : i32
      %dma_start3A_132 = tpu.memref_slice %arg4[%add3A_34, %dma_start3A_131] : memref<262144x128xf32, #tpu.memory_space<hbm>> -> memref<512x128xf32, #tpu.memory_space<hbm>>
      tpu.enqueue_dma source(%arg6 : memref<512x128xf32, #tpu.memory_space<vmem>>) target(%dma_start3A_132 : memref<512x128xf32, #tpu.memory_space<hbm>>) target_semaphore(%run_scoped3A : memref<!tpu.dma_semaphore, #tpu.memory_space<semaphore_mem>>)
      %dma_wait3A_133 = arith.constant 0 : i32
      %dma_wait3A_134 = tpu.memref_slice %arg4[%add3A_34, %dma_wait3A_133] : memref<262144x128xf32, #tpu.memory_space<hbm>> -> memref<512x128xf32, #tpu.memory_space<hbm>>
      %dma_wait3A_135 = arith.constant 0 : i32
      %dma_wait3A_136 = tpu.memref_slice %arg4[%add3A_34, %dma_wait3A_135] : memref<262144x128xf32, #tpu.memory_space<hbm>> -> memref<512x128xf32, #tpu.memory_space<hbm>>
      tpu.wait_dma2 semaphore(%run_scoped3A : memref<!tpu.dma_semaphore, #tpu.memory_space<semaphore_mem>>) src(%arg6 : memref<512x128xf32, #tpu.memory_space<vmem>>) dst(%dma_wait3A_136 : memref<512x128xf32, #tpu.memory_space<hbm>>)
      tpu.yield
    }) : () -> ()
    %add3A_41 = arith.constant 2560 : i32
    %add3A_42 = arith.addi %mul3A_2, %add3A_41 : i32
    "tpu.region"() ({
      %run_scoped3A = tpu.sem_alloc : memref<!tpu.dma_semaphore, #tpu.memory_space<semaphore_mem>>
      %dma_start3A_129 = tpu.memref_slice %arg3[%add3A_42] : memref<262144xi32, #tpu.memory_space<hbm>> -> memref<512xi32, #tpu.memory_space<hbm>>
      %dma_start3A_130 = tpu.memref_slice %arg3[%add3A_42] : memref<262144xi32, #tpu.memory_space<hbm>> -> memref<512xi32, #tpu.memory_space<hbm>>
      tpu.enqueue_dma source(%dma_start3A_130 : memref<512xi32, #tpu.memory_space<hbm>>) target(%arg5 : memref<512xi32, #tpu.memory_space<vmem>>) target_semaphore(%run_scoped3A : memref<!tpu.dma_semaphore, #tpu.memory_space<semaphore_mem>>)
      %dma_wait3A_131 = tpu.memref_slice %arg3[%add3A_42] : memref<262144xi32, #tpu.memory_space<hbm>> -> memref<512xi32, #tpu.memory_space<hbm>>
      %dma_wait3A_132 = tpu.memref_slice %arg3[%add3A_42] : memref<262144xi32, #tpu.memory_space<hbm>> -> memref<512xi32, #tpu.memory_space<hbm>>
      tpu.wait_dma2 semaphore(%run_scoped3A : memref<!tpu.dma_semaphore, #tpu.memory_space<semaphore_mem>>) src(%dma_wait3A_132 : memref<512xi32, #tpu.memory_space<hbm>>) dst(%arg5 : memref<512xi32, #tpu.memory_space<vmem>>)
      tpu.yield
    }) : () -> ()
    %dma_start3A_43 = arith.constant 0 : i32
    %dma_start3A_44 = arith.constant 0 : i32
    %dma_start3A_45 = tpu.memref_slice %arg2[%dma_start3A_43, %dma_start3A_44] : memref<65536x128xf32, #tpu.memory_space<hbm>> -> memref<65536x128xf32, #tpu.memory_space<hbm>>
    tpu.enqueue_indirect_dma source(%dma_start3A_45 : memref<65536x128xf32, #tpu.memory_space<hbm>>) target(%arg6 : memref<512x128xf32, #tpu.memory_space<vmem>>) offsets(%arg5 : memref<512xi32, #tpu.memory_space<vmem>>) semaphore(%arg7 : memref<!tpu.dma_semaphore, #tpu.memory_space<semaphore_mem>>)
    %dma_wait3A_46 = arith.constant 0 : i32
    %dma_wait3A_47 = arith.constant 0 : i32
    %dma_wait3A_48 = tpu.memref_slice %arg2[%dma_wait3A_46, %dma_wait3A_47] : memref<65536x128xf32, #tpu.memory_space<hbm>> -> memref<65536x128xf32, #tpu.memory_space<hbm>>
    tpu.wait_indirect_dma semaphore(%arg7 : memref<!tpu.dma_semaphore, #tpu.memory_space<semaphore_mem>>) src(%dma_wait3A_48 : memref<65536x128xf32, #tpu.memory_space<hbm>>) dst(%arg6 : memref<512x128xf32, #tpu.memory_space<vmem>>)
    "tpu.region"() ({
      %run_scoped3A = tpu.sem_alloc : memref<!tpu.dma_semaphore, #tpu.memory_space<semaphore_mem>>
      %dma_start3A_129 = arith.constant 0 : i32
      %dma_start3A_130 = tpu.memref_slice %arg4[%add3A_42, %dma_start3A_129] : memref<262144x128xf32, #tpu.memory_space<hbm>> -> memref<512x128xf32, #tpu.memory_space<hbm>>
      %dma_start3A_131 = arith.constant 0 : i32
      %dma_start3A_132 = tpu.memref_slice %arg4[%add3A_42, %dma_start3A_131] : memref<262144x128xf32, #tpu.memory_space<hbm>> -> memref<512x128xf32, #tpu.memory_space<hbm>>
      tpu.enqueue_dma source(%arg6 : memref<512x128xf32, #tpu.memory_space<vmem>>) target(%dma_start3A_132 : memref<512x128xf32, #tpu.memory_space<hbm>>) target_semaphore(%run_scoped3A : memref<!tpu.dma_semaphore, #tpu.memory_space<semaphore_mem>>)
      %dma_wait3A_133 = arith.constant 0 : i32
      %dma_wait3A_134 = tpu.memref_slice %arg4[%add3A_42, %dma_wait3A_133] : memref<262144x128xf32, #tpu.memory_space<hbm>> -> memref<512x128xf32, #tpu.memory_space<hbm>>
      %dma_wait3A_135 = arith.constant 0 : i32
      %dma_wait3A_136 = tpu.memref_slice %arg4[%add3A_42, %dma_wait3A_135] : memref<262144x128xf32, #tpu.memory_space<hbm>> -> memref<512x128xf32, #tpu.memory_space<hbm>>
      tpu.wait_dma2 semaphore(%run_scoped3A : memref<!tpu.dma_semaphore, #tpu.memory_space<semaphore_mem>>) src(%arg6 : memref<512x128xf32, #tpu.memory_space<vmem>>) dst(%dma_wait3A_136 : memref<512x128xf32, #tpu.memory_space<hbm>>)
      tpu.yield
    }) : () -> ()
    %add3A_49 = arith.constant 3072 : i32
    %add3A_50 = arith.addi %mul3A_2, %add3A_49 : i32
    "tpu.region"() ({
      %run_scoped3A = tpu.sem_alloc : memref<!tpu.dma_semaphore, #tpu.memory_space<semaphore_mem>>
      %dma_start3A_129 = tpu.memref_slice %arg3[%add3A_50] : memref<262144xi32, #tpu.memory_space<hbm>> -> memref<512xi32, #tpu.memory_space<hbm>>
      %dma_start3A_130 = tpu.memref_slice %arg3[%add3A_50] : memref<262144xi32, #tpu.memory_space<hbm>> -> memref<512xi32, #tpu.memory_space<hbm>>
      tpu.enqueue_dma source(%dma_start3A_130 : memref<512xi32, #tpu.memory_space<hbm>>) target(%arg5 : memref<512xi32, #tpu.memory_space<vmem>>) target_semaphore(%run_scoped3A : memref<!tpu.dma_semaphore, #tpu.memory_space<semaphore_mem>>)
      %dma_wait3A_131 = tpu.memref_slice %arg3[%add3A_50] : memref<262144xi32, #tpu.memory_space<hbm>> -> memref<512xi32, #tpu.memory_space<hbm>>
      %dma_wait3A_132 = tpu.memref_slice %arg3[%add3A_50] : memref<262144xi32, #tpu.memory_space<hbm>> -> memref<512xi32, #tpu.memory_space<hbm>>
      tpu.wait_dma2 semaphore(%run_scoped3A : memref<!tpu.dma_semaphore, #tpu.memory_space<semaphore_mem>>) src(%dma_wait3A_132 : memref<512xi32, #tpu.memory_space<hbm>>) dst(%arg5 : memref<512xi32, #tpu.memory_space<vmem>>)
      tpu.yield
    }) : () -> ()
    %dma_start3A_51 = arith.constant 0 : i32
    %dma_start3A_52 = arith.constant 0 : i32
    %dma_start3A_53 = tpu.memref_slice %arg2[%dma_start3A_51, %dma_start3A_52] : memref<65536x128xf32, #tpu.memory_space<hbm>> -> memref<65536x128xf32, #tpu.memory_space<hbm>>
    tpu.enqueue_indirect_dma source(%dma_start3A_53 : memref<65536x128xf32, #tpu.memory_space<hbm>>) target(%arg6 : memref<512x128xf32, #tpu.memory_space<vmem>>) offsets(%arg5 : memref<512xi32, #tpu.memory_space<vmem>>) semaphore(%arg7 : memref<!tpu.dma_semaphore, #tpu.memory_space<semaphore_mem>>)
    %dma_wait3A_54 = arith.constant 0 : i32
    %dma_wait3A_55 = arith.constant 0 : i32
    %dma_wait3A_56 = tpu.memref_slice %arg2[%dma_wait3A_54, %dma_wait3A_55] : memref<65536x128xf32, #tpu.memory_space<hbm>> -> memref<65536x128xf32, #tpu.memory_space<hbm>>
    tpu.wait_indirect_dma semaphore(%arg7 : memref<!tpu.dma_semaphore, #tpu.memory_space<semaphore_mem>>) src(%dma_wait3A_56 : memref<65536x128xf32, #tpu.memory_space<hbm>>) dst(%arg6 : memref<512x128xf32, #tpu.memory_space<vmem>>)
    "tpu.region"() ({
      %run_scoped3A = tpu.sem_alloc : memref<!tpu.dma_semaphore, #tpu.memory_space<semaphore_mem>>
      %dma_start3A_129 = arith.constant 0 : i32
      %dma_start3A_130 = tpu.memref_slice %arg4[%add3A_50, %dma_start3A_129] : memref<262144x128xf32, #tpu.memory_space<hbm>> -> memref<512x128xf32, #tpu.memory_space<hbm>>
      %dma_start3A_131 = arith.constant 0 : i32
      %dma_start3A_132 = tpu.memref_slice %arg4[%add3A_50, %dma_start3A_131] : memref<262144x128xf32, #tpu.memory_space<hbm>> -> memref<512x128xf32, #tpu.memory_space<hbm>>
      tpu.enqueue_dma source(%arg6 : memref<512x128xf32, #tpu.memory_space<vmem>>) target(%dma_start3A_132 : memref<512x128xf32, #tpu.memory_space<hbm>>) target_semaphore(%run_scoped3A : memref<!tpu.dma_semaphore, #tpu.memory_space<semaphore_mem>>)
      %dma_wait3A_133 = arith.constant 0 : i32
      %dma_wait3A_134 = tpu.memref_slice %arg4[%add3A_50, %dma_wait3A_133] : memref<262144x128xf32, #tpu.memory_space<hbm>> -> memref<512x128xf32, #tpu.memory_space<hbm>>
      %dma_wait3A_135 = arith.constant 0 : i32
      %dma_wait3A_136 = tpu.memref_slice %arg4[%add3A_50, %dma_wait3A_135] : memref<262144x128xf32, #tpu.memory_space<hbm>> -> memref<512x128xf32, #tpu.memory_space<hbm>>
      tpu.wait_dma2 semaphore(%run_scoped3A : memref<!tpu.dma_semaphore, #tpu.memory_space<semaphore_mem>>) src(%arg6 : memref<512x128xf32, #tpu.memory_space<vmem>>) dst(%dma_wait3A_136 : memref<512x128xf32, #tpu.memory_space<hbm>>)
      tpu.yield
    }) : () -> ()
    %add3A_57 = arith.constant 3584 : i32
    %add3A_58 = arith.addi %mul3A_2, %add3A_57 : i32
    "tpu.region"() ({
      %run_scoped3A = tpu.sem_alloc : memref<!tpu.dma_semaphore, #tpu.memory_space<semaphore_mem>>
      %dma_start3A_129 = tpu.memref_slice %arg3[%add3A_58] : memref<262144xi32, #tpu.memory_space<hbm>> -> memref<512xi32, #tpu.memory_space<hbm>>
      %dma_start3A_130 = tpu.memref_slice %arg3[%add3A_58] : memref<262144xi32, #tpu.memory_space<hbm>> -> memref<512xi32, #tpu.memory_space<hbm>>
      tpu.enqueue_dma source(%dma_start3A_130 : memref<512xi32, #tpu.memory_space<hbm>>) target(%arg5 : memref<512xi32, #tpu.memory_space<vmem>>) target_semaphore(%run_scoped3A : memref<!tpu.dma_semaphore, #tpu.memory_space<semaphore_mem>>)
      %dma_wait3A_131 = tpu.memref_slice %arg3[%add3A_58] : memref<262144xi32, #tpu.memory_space<hbm>> -> memref<512xi32, #tpu.memory_space<hbm>>
      %dma_wait3A_132 = tpu.memref_slice %arg3[%add3A_58] : memref<262144xi32, #tpu.memory_space<hbm>> -> memref<512xi32, #tpu.memory_space<hbm>>
      tpu.wait_dma2 semaphore(%run_scoped3A : memref<!tpu.dma_semaphore, #tpu.memory_space<semaphore_mem>>) src(%dma_wait3A_132 : memref<512xi32, #tpu.memory_space<hbm>>) dst(%arg5 : memref<512xi32, #tpu.memory_space<vmem>>)
      tpu.yield
    }) : () -> ()
    %dma_start3A_59 = arith.constant 0 : i32
    %dma_start3A_60 = arith.constant 0 : i32
    %dma_start3A_61 = tpu.memref_slice %arg2[%dma_start3A_59, %dma_start3A_60] : memref<65536x128xf32, #tpu.memory_space<hbm>> -> memref<65536x128xf32, #tpu.memory_space<hbm>>
    tpu.enqueue_indirect_dma source(%dma_start3A_61 : memref<65536x128xf32, #tpu.memory_space<hbm>>) target(%arg6 : memref<512x128xf32, #tpu.memory_space<vmem>>) offsets(%arg5 : memref<512xi32, #tpu.memory_space<vmem>>) semaphore(%arg7 : memref<!tpu.dma_semaphore, #tpu.memory_space<semaphore_mem>>)
    %dma_wait3A_62 = arith.constant 0 : i32
    %dma_wait3A_63 = arith.constant 0 : i32
    %dma_wait3A_64 = tpu.memref_slice %arg2[%dma_wait3A_62, %dma_wait3A_63] : memref<65536x128xf32, #tpu.memory_space<hbm>> -> memref<65536x128xf32, #tpu.memory_space<hbm>>
    tpu.wait_indirect_dma semaphore(%arg7 : memref<!tpu.dma_semaphore, #tpu.memory_space<semaphore_mem>>) src(%dma_wait3A_64 : memref<65536x128xf32, #tpu.memory_space<hbm>>) dst(%arg6 : memref<512x128xf32, #tpu.memory_space<vmem>>)
    "tpu.region"() ({
      %run_scoped3A = tpu.sem_alloc : memref<!tpu.dma_semaphore, #tpu.memory_space<semaphore_mem>>
      %dma_start3A_129 = arith.constant 0 : i32
      %dma_start3A_130 = tpu.memref_slice %arg4[%add3A_58, %dma_start3A_129] : memref<262144x128xf32, #tpu.memory_space<hbm>> -> memref<512x128xf32, #tpu.memory_space<hbm>>
      %dma_start3A_131 = arith.constant 0 : i32
      %dma_start3A_132 = tpu.memref_slice %arg4[%add3A_58, %dma_start3A_131] : memref<262144x128xf32, #tpu.memory_space<hbm>> -> memref<512x128xf32, #tpu.memory_space<hbm>>
      tpu.enqueue_dma source(%arg6 : memref<512x128xf32, #tpu.memory_space<vmem>>) target(%dma_start3A_132 : memref<512x128xf32, #tpu.memory_space<hbm>>) target_semaphore(%run_scoped3A : memref<!tpu.dma_semaphore, #tpu.memory_space<semaphore_mem>>)
      %dma_wait3A_133 = arith.constant 0 : i32
      %dma_wait3A_134 = tpu.memref_slice %arg4[%add3A_58, %dma_wait3A_133] : memref<262144x128xf32, #tpu.memory_space<hbm>> -> memref<512x128xf32, #tpu.memory_space<hbm>>
      %dma_wait3A_135 = arith.constant 0 : i32
      %dma_wait3A_136 = tpu.memref_slice %arg4[%add3A_58, %dma_wait3A_135] : memref<262144x128xf32, #tpu.memory_space<hbm>> -> memref<512x128xf32, #tpu.memory_space<hbm>>
      tpu.wait_dma2 semaphore(%run_scoped3A : memref<!tpu.dma_semaphore, #tpu.memory_space<semaphore_mem>>) src(%arg6 : memref<512x128xf32, #tpu.memory_space<vmem>>) dst(%dma_wait3A_136 : memref<512x128xf32, #tpu.memory_space<hbm>>)
      tpu.yield
    }) : () -> ()
    %add3A_65 = arith.constant 4096 : i32
    %add3A_66 = arith.addi %mul3A_2, %add3A_65 : i32
    "tpu.region"() ({
      %run_scoped3A = tpu.sem_alloc : memref<!tpu.dma_semaphore, #tpu.memory_space<semaphore_mem>>
      %dma_start3A_129 = tpu.memref_slice %arg3[%add3A_66] : memref<262144xi32, #tpu.memory_space<hbm>> -> memref<512xi32, #tpu.memory_space<hbm>>
      %dma_start3A_130 = tpu.memref_slice %arg3[%add3A_66] : memref<262144xi32, #tpu.memory_space<hbm>> -> memref<512xi32, #tpu.memory_space<hbm>>
      tpu.enqueue_dma source(%dma_start3A_130 : memref<512xi32, #tpu.memory_space<hbm>>) target(%arg5 : memref<512xi32, #tpu.memory_space<vmem>>) target_semaphore(%run_scoped3A : memref<!tpu.dma_semaphore, #tpu.memory_space<semaphore_mem>>)
      %dma_wait3A_131 = tpu.memref_slice %arg3[%add3A_66] : memref<262144xi32, #tpu.memory_space<hbm>> -> memref<512xi32, #tpu.memory_space<hbm>>
      %dma_wait3A_132 = tpu.memref_slice %arg3[%add3A_66] : memref<262144xi32, #tpu.memory_space<hbm>> -> memref<512xi32, #tpu.memory_space<hbm>>
      tpu.wait_dma2 semaphore(%run_scoped3A : memref<!tpu.dma_semaphore, #tpu.memory_space<semaphore_mem>>) src(%dma_wait3A_132 : memref<512xi32, #tpu.memory_space<hbm>>) dst(%arg5 : memref<512xi32, #tpu.memory_space<vmem>>)
      tpu.yield
    }) : () -> ()
    %dma_start3A_67 = arith.constant 0 : i32
    %dma_start3A_68 = arith.constant 0 : i32
    %dma_start3A_69 = tpu.memref_slice %arg2[%dma_start3A_67, %dma_start3A_68] : memref<65536x128xf32, #tpu.memory_space<hbm>> -> memref<65536x128xf32, #tpu.memory_space<hbm>>
    tpu.enqueue_indirect_dma source(%dma_start3A_69 : memref<65536x128xf32, #tpu.memory_space<hbm>>) target(%arg6 : memref<512x128xf32, #tpu.memory_space<vmem>>) offsets(%arg5 : memref<512xi32, #tpu.memory_space<vmem>>) semaphore(%arg7 : memref<!tpu.dma_semaphore, #tpu.memory_space<semaphore_mem>>)
    %dma_wait3A_70 = arith.constant 0 : i32
    %dma_wait3A_71 = arith.constant 0 : i32
    %dma_wait3A_72 = tpu.memref_slice %arg2[%dma_wait3A_70, %dma_wait3A_71] : memref<65536x128xf32, #tpu.memory_space<hbm>> -> memref<65536x128xf32, #tpu.memory_space<hbm>>
    tpu.wait_indirect_dma semaphore(%arg7 : memref<!tpu.dma_semaphore, #tpu.memory_space<semaphore_mem>>) src(%dma_wait3A_72 : memref<65536x128xf32, #tpu.memory_space<hbm>>) dst(%arg6 : memref<512x128xf32, #tpu.memory_space<vmem>>)
    "tpu.region"() ({
      %run_scoped3A = tpu.sem_alloc : memref<!tpu.dma_semaphore, #tpu.memory_space<semaphore_mem>>
      %dma_start3A_129 = arith.constant 0 : i32
      %dma_start3A_130 = tpu.memref_slice %arg4[%add3A_66, %dma_start3A_129] : memref<262144x128xf32, #tpu.memory_space<hbm>> -> memref<512x128xf32, #tpu.memory_space<hbm>>
      %dma_start3A_131 = arith.constant 0 : i32
      %dma_start3A_132 = tpu.memref_slice %arg4[%add3A_66, %dma_start3A_131] : memref<262144x128xf32, #tpu.memory_space<hbm>> -> memref<512x128xf32, #tpu.memory_space<hbm>>
      tpu.enqueue_dma source(%arg6 : memref<512x128xf32, #tpu.memory_space<vmem>>) target(%dma_start3A_132 : memref<512x128xf32, #tpu.memory_space<hbm>>) target_semaphore(%run_scoped3A : memref<!tpu.dma_semaphore, #tpu.memory_space<semaphore_mem>>)
      %dma_wait3A_133 = arith.constant 0 : i32
      %dma_wait3A_134 = tpu.memref_slice %arg4[%add3A_66, %dma_wait3A_133] : memref<262144x128xf32, #tpu.memory_space<hbm>> -> memref<512x128xf32, #tpu.memory_space<hbm>>
      %dma_wait3A_135 = arith.constant 0 : i32
      %dma_wait3A_136 = tpu.memref_slice %arg4[%add3A_66, %dma_wait3A_135] : memref<262144x128xf32, #tpu.memory_space<hbm>> -> memref<512x128xf32, #tpu.memory_space<hbm>>
      tpu.wait_dma2 semaphore(%run_scoped3A : memref<!tpu.dma_semaphore, #tpu.memory_space<semaphore_mem>>) src(%arg6 : memref<512x128xf32, #tpu.memory_space<vmem>>) dst(%dma_wait3A_136 : memref<512x128xf32, #tpu.memory_space<hbm>>)
      tpu.yield
    }) : () -> ()
    %add3A_73 = arith.constant 4608 : i32
    %add3A_74 = arith.addi %mul3A_2, %add3A_73 : i32
    "tpu.region"() ({
      %run_scoped3A = tpu.sem_alloc : memref<!tpu.dma_semaphore, #tpu.memory_space<semaphore_mem>>
      %dma_start3A_129 = tpu.memref_slice %arg3[%add3A_74] : memref<262144xi32, #tpu.memory_space<hbm>> -> memref<512xi32, #tpu.memory_space<hbm>>
      %dma_start3A_130 = tpu.memref_slice %arg3[%add3A_74] : memref<262144xi32, #tpu.memory_space<hbm>> -> memref<512xi32, #tpu.memory_space<hbm>>
      tpu.enqueue_dma source(%dma_start3A_130 : memref<512xi32, #tpu.memory_space<hbm>>) target(%arg5 : memref<512xi32, #tpu.memory_space<vmem>>) target_semaphore(%run_scoped3A : memref<!tpu.dma_semaphore, #tpu.memory_space<semaphore_mem>>)
      %dma_wait3A_131 = tpu.memref_slice %arg3[%add3A_74] : memref<262144xi32, #tpu.memory_space<hbm>> -> memref<512xi32, #tpu.memory_space<hbm>>
      %dma_wait3A_132 = tpu.memref_slice %arg3[%add3A_74] : memref<262144xi32, #tpu.memory_space<hbm>> -> memref<512xi32, #tpu.memory_space<hbm>>
      tpu.wait_dma2 semaphore(%run_scoped3A : memref<!tpu.dma_semaphore, #tpu.memory_space<semaphore_mem>>) src(%dma_wait3A_132 : memref<512xi32, #tpu.memory_space<hbm>>) dst(%arg5 : memref<512xi32, #tpu.memory_space<vmem>>)
      tpu.yield
    }) : () -> ()
    %dma_start3A_75 = arith.constant 0 : i32
    %dma_start3A_76 = arith.constant 0 : i32
    %dma_start3A_77 = tpu.memref_slice %arg2[%dma_start3A_75, %dma_start3A_76] : memref<65536x128xf32, #tpu.memory_space<hbm>> -> memref<65536x128xf32, #tpu.memory_space<hbm>>
    tpu.enqueue_indirect_dma source(%dma_start3A_77 : memref<65536x128xf32, #tpu.memory_space<hbm>>) target(%arg6 : memref<512x128xf32, #tpu.memory_space<vmem>>) offsets(%arg5 : memref<512xi32, #tpu.memory_space<vmem>>) semaphore(%arg7 : memref<!tpu.dma_semaphore, #tpu.memory_space<semaphore_mem>>)
    %dma_wait3A_78 = arith.constant 0 : i32
    %dma_wait3A_79 = arith.constant 0 : i32
    %dma_wait3A_80 = tpu.memref_slice %arg2[%dma_wait3A_78, %dma_wait3A_79] : memref<65536x128xf32, #tpu.memory_space<hbm>> -> memref<65536x128xf32, #tpu.memory_space<hbm>>
    tpu.wait_indirect_dma semaphore(%arg7 : memref<!tpu.dma_semaphore, #tpu.memory_space<semaphore_mem>>) src(%dma_wait3A_80 : memref<65536x128xf32, #tpu.memory_space<hbm>>) dst(%arg6 : memref<512x128xf32, #tpu.memory_space<vmem>>)
    "tpu.region"() ({
      %run_scoped3A = tpu.sem_alloc : memref<!tpu.dma_semaphore, #tpu.memory_space<semaphore_mem>>
      %dma_start3A_129 = arith.constant 0 : i32
      %dma_start3A_130 = tpu.memref_slice %arg4[%add3A_74, %dma_start3A_129] : memref<262144x128xf32, #tpu.memory_space<hbm>> -> memref<512x128xf32, #tpu.memory_space<hbm>>
      %dma_start3A_131 = arith.constant 0 : i32
      %dma_start3A_132 = tpu.memref_slice %arg4[%add3A_74, %dma_start3A_131] : memref<262144x128xf32, #tpu.memory_space<hbm>> -> memref<512x128xf32, #tpu.memory_space<hbm>>
      tpu.enqueue_dma source(%arg6 : memref<512x128xf32, #tpu.memory_space<vmem>>) target(%dma_start3A_132 : memref<512x128xf32, #tpu.memory_space<hbm>>) target_semaphore(%run_scoped3A : memref<!tpu.dma_semaphore, #tpu.memory_space<semaphore_mem>>)
      %dma_wait3A_133 = arith.constant 0 : i32
      %dma_wait3A_134 = tpu.memref_slice %arg4[%add3A_74, %dma_wait3A_133] : memref<262144x128xf32, #tpu.memory_space<hbm>> -> memref<512x128xf32, #tpu.memory_space<hbm>>
      %dma_wait3A_135 = arith.constant 0 : i32
      %dma_wait3A_136 = tpu.memref_slice %arg4[%add3A_74, %dma_wait3A_135] : memref<262144x128xf32, #tpu.memory_space<hbm>> -> memref<512x128xf32, #tpu.memory_space<hbm>>
      tpu.wait_dma2 semaphore(%run_scoped3A : memref<!tpu.dma_semaphore, #tpu.memory_space<semaphore_mem>>) src(%arg6 : memref<512x128xf32, #tpu.memory_space<vmem>>) dst(%dma_wait3A_136 : memref<512x128xf32, #tpu.memory_space<hbm>>)
      tpu.yield
    }) : () -> ()
    %add3A_81 = arith.constant 5120 : i32
    %add3A_82 = arith.addi %mul3A_2, %add3A_81 : i32
    "tpu.region"() ({
      %run_scoped3A = tpu.sem_alloc : memref<!tpu.dma_semaphore, #tpu.memory_space<semaphore_mem>>
      %dma_start3A_129 = tpu.memref_slice %arg3[%add3A_82] : memref<262144xi32, #tpu.memory_space<hbm>> -> memref<512xi32, #tpu.memory_space<hbm>>
      %dma_start3A_130 = tpu.memref_slice %arg3[%add3A_82] : memref<262144xi32, #tpu.memory_space<hbm>> -> memref<512xi32, #tpu.memory_space<hbm>>
      tpu.enqueue_dma source(%dma_start3A_130 : memref<512xi32, #tpu.memory_space<hbm>>) target(%arg5 : memref<512xi32, #tpu.memory_space<vmem>>) target_semaphore(%run_scoped3A : memref<!tpu.dma_semaphore, #tpu.memory_space<semaphore_mem>>)
      %dma_wait3A_131 = tpu.memref_slice %arg3[%add3A_82] : memref<262144xi32, #tpu.memory_space<hbm>> -> memref<512xi32, #tpu.memory_space<hbm>>
      %dma_wait3A_132 = tpu.memref_slice %arg3[%add3A_82] : memref<262144xi32, #tpu.memory_space<hbm>> -> memref<512xi32, #tpu.memory_space<hbm>>
      tpu.wait_dma2 semaphore(%run_scoped3A : memref<!tpu.dma_semaphore, #tpu.memory_space<semaphore_mem>>) src(%dma_wait3A_132 : memref<512xi32, #tpu.memory_space<hbm>>) dst(%arg5 : memref<512xi32, #tpu.memory_space<vmem>>)
      tpu.yield
    }) : () -> ()
    %dma_start3A_83 = arith.constant 0 : i32
    %dma_start3A_84 = arith.constant 0 : i32
    %dma_start3A_85 = tpu.memref_slice %arg2[%dma_start3A_83, %dma_start3A_84] : memref<65536x128xf32, #tpu.memory_space<hbm>> -> memref<65536x128xf32, #tpu.memory_space<hbm>>
    tpu.enqueue_indirect_dma source(%dma_start3A_85 : memref<65536x128xf32, #tpu.memory_space<hbm>>) target(%arg6 : memref<512x128xf32, #tpu.memory_space<vmem>>) offsets(%arg5 : memref<512xi32, #tpu.memory_space<vmem>>) semaphore(%arg7 : memref<!tpu.dma_semaphore, #tpu.memory_space<semaphore_mem>>)
    %dma_wait3A_86 = arith.constant 0 : i32
    %dma_wait3A_87 = arith.constant 0 : i32
    %dma_wait3A_88 = tpu.memref_slice %arg2[%dma_wait3A_86, %dma_wait3A_87] : memref<65536x128xf32, #tpu.memory_space<hbm>> -> memref<65536x128xf32, #tpu.memory_space<hbm>>
    tpu.wait_indirect_dma semaphore(%arg7 : memref<!tpu.dma_semaphore, #tpu.memory_space<semaphore_mem>>) src(%dma_wait3A_88 : memref<65536x128xf32, #tpu.memory_space<hbm>>) dst(%arg6 : memref<512x128xf32, #tpu.memory_space<vmem>>)
    "tpu.region"() ({
      %run_scoped3A = tpu.sem_alloc : memref<!tpu.dma_semaphore, #tpu.memory_space<semaphore_mem>>
      %dma_start3A_129 = arith.constant 0 : i32
      %dma_start3A_130 = tpu.memref_slice %arg4[%add3A_82, %dma_start3A_129] : memref<262144x128xf32, #tpu.memory_space<hbm>> -> memref<512x128xf32, #tpu.memory_space<hbm>>
      %dma_start3A_131 = arith.constant 0 : i32
      %dma_start3A_132 = tpu.memref_slice %arg4[%add3A_82, %dma_start3A_131] : memref<262144x128xf32, #tpu.memory_space<hbm>> -> memref<512x128xf32, #tpu.memory_space<hbm>>
      tpu.enqueue_dma source(%arg6 : memref<512x128xf32, #tpu.memory_space<vmem>>) target(%dma_start3A_132 : memref<512x128xf32, #tpu.memory_space<hbm>>) target_semaphore(%run_scoped3A : memref<!tpu.dma_semaphore, #tpu.memory_space<semaphore_mem>>)
      %dma_wait3A_133 = arith.constant 0 : i32
      %dma_wait3A_134 = tpu.memref_slice %arg4[%add3A_82, %dma_wait3A_133] : memref<262144x128xf32, #tpu.memory_space<hbm>> -> memref<512x128xf32, #tpu.memory_space<hbm>>
      %dma_wait3A_135 = arith.constant 0 : i32
      %dma_wait3A_136 = tpu.memref_slice %arg4[%add3A_82, %dma_wait3A_135] : memref<262144x128xf32, #tpu.memory_space<hbm>> -> memref<512x128xf32, #tpu.memory_space<hbm>>
      tpu.wait_dma2 semaphore(%run_scoped3A : memref<!tpu.dma_semaphore, #tpu.memory_space<semaphore_mem>>) src(%arg6 : memref<512x128xf32, #tpu.memory_space<vmem>>) dst(%dma_wait3A_136 : memref<512x128xf32, #tpu.memory_space<hbm>>)
      tpu.yield
    }) : () -> ()
    %add3A_89 = arith.constant 5632 : i32
    %add3A_90 = arith.addi %mul3A_2, %add3A_89 : i32
    "tpu.region"() ({
      %run_scoped3A = tpu.sem_alloc : memref<!tpu.dma_semaphore, #tpu.memory_space<semaphore_mem>>
      %dma_start3A_129 = tpu.memref_slice %arg3[%add3A_90] : memref<262144xi32, #tpu.memory_space<hbm>> -> memref<512xi32, #tpu.memory_space<hbm>>
      %dma_start3A_130 = tpu.memref_slice %arg3[%add3A_90] : memref<262144xi32, #tpu.memory_space<hbm>> -> memref<512xi32, #tpu.memory_space<hbm>>
      tpu.enqueue_dma source(%dma_start3A_130 : memref<512xi32, #tpu.memory_space<hbm>>) target(%arg5 : memref<512xi32, #tpu.memory_space<vmem>>) target_semaphore(%run_scoped3A : memref<!tpu.dma_semaphore, #tpu.memory_space<semaphore_mem>>)
      %dma_wait3A_131 = tpu.memref_slice %arg3[%add3A_90] : memref<262144xi32, #tpu.memory_space<hbm>> -> memref<512xi32, #tpu.memory_space<hbm>>
      %dma_wait3A_132 = tpu.memref_slice %arg3[%add3A_90] : memref<262144xi32, #tpu.memory_space<hbm>> -> memref<512xi32, #tpu.memory_space<hbm>>
      tpu.wait_dma2 semaphore(%run_scoped3A : memref<!tpu.dma_semaphore, #tpu.memory_space<semaphore_mem>>) src(%dma_wait3A_132 : memref<512xi32, #tpu.memory_space<hbm>>) dst(%arg5 : memref<512xi32, #tpu.memory_space<vmem>>)
      tpu.yield
    }) : () -> ()
    %dma_start3A_91 = arith.constant 0 : i32
    %dma_start3A_92 = arith.constant 0 : i32
    %dma_start3A_93 = tpu.memref_slice %arg2[%dma_start3A_91, %dma_start3A_92] : memref<65536x128xf32, #tpu.memory_space<hbm>> -> memref<65536x128xf32, #tpu.memory_space<hbm>>
    tpu.enqueue_indirect_dma source(%dma_start3A_93 : memref<65536x128xf32, #tpu.memory_space<hbm>>) target(%arg6 : memref<512x128xf32, #tpu.memory_space<vmem>>) offsets(%arg5 : memref<512xi32, #tpu.memory_space<vmem>>) semaphore(%arg7 : memref<!tpu.dma_semaphore, #tpu.memory_space<semaphore_mem>>)
    %dma_wait3A_94 = arith.constant 0 : i32
    %dma_wait3A_95 = arith.constant 0 : i32
    %dma_wait3A_96 = tpu.memref_slice %arg2[%dma_wait3A_94, %dma_wait3A_95] : memref<65536x128xf32, #tpu.memory_space<hbm>> -> memref<65536x128xf32, #tpu.memory_space<hbm>>
    tpu.wait_indirect_dma semaphore(%arg7 : memref<!tpu.dma_semaphore, #tpu.memory_space<semaphore_mem>>) src(%dma_wait3A_96 : memref<65536x128xf32, #tpu.memory_space<hbm>>) dst(%arg6 : memref<512x128xf32, #tpu.memory_space<vmem>>)
    "tpu.region"() ({
      %run_scoped3A = tpu.sem_alloc : memref<!tpu.dma_semaphore, #tpu.memory_space<semaphore_mem>>
      %dma_start3A_129 = arith.constant 0 : i32
      %dma_start3A_130 = tpu.memref_slice %arg4[%add3A_90, %dma_start3A_129] : memref<262144x128xf32, #tpu.memory_space<hbm>> -> memref<512x128xf32, #tpu.memory_space<hbm>>
      %dma_start3A_131 = arith.constant 0 : i32
      %dma_start3A_132 = tpu.memref_slice %arg4[%add3A_90, %dma_start3A_131] : memref<262144x128xf32, #tpu.memory_space<hbm>> -> memref<512x128xf32, #tpu.memory_space<hbm>>
      tpu.enqueue_dma source(%arg6 : memref<512x128xf32, #tpu.memory_space<vmem>>) target(%dma_start3A_132 : memref<512x128xf32, #tpu.memory_space<hbm>>) target_semaphore(%run_scoped3A : memref<!tpu.dma_semaphore, #tpu.memory_space<semaphore_mem>>)
      %dma_wait3A_133 = arith.constant 0 : i32
      %dma_wait3A_134 = tpu.memref_slice %arg4[%add3A_90, %dma_wait3A_133] : memref<262144x128xf32, #tpu.memory_space<hbm>> -> memref<512x128xf32, #tpu.memory_space<hbm>>
      %dma_wait3A_135 = arith.constant 0 : i32
      %dma_wait3A_136 = tpu.memref_slice %arg4[%add3A_90, %dma_wait3A_135] : memref<262144x128xf32, #tpu.memory_space<hbm>> -> memref<512x128xf32, #tpu.memory_space<hbm>>
      tpu.wait_dma2 semaphore(%run_scoped3A : memref<!tpu.dma_semaphore, #tpu.memory_space<semaphore_mem>>) src(%arg6 : memref<512x128xf32, #tpu.memory_space<vmem>>) dst(%dma_wait3A_136 : memref<512x128xf32, #tpu.memory_space<hbm>>)
      tpu.yield
    }) : () -> ()
    %add3A_97 = arith.constant 6144 : i32
    %add3A_98 = arith.addi %mul3A_2, %add3A_97 : i32
    "tpu.region"() ({
      %run_scoped3A = tpu.sem_alloc : memref<!tpu.dma_semaphore, #tpu.memory_space<semaphore_mem>>
      %dma_start3A_129 = tpu.memref_slice %arg3[%add3A_98] : memref<262144xi32, #tpu.memory_space<hbm>> -> memref<512xi32, #tpu.memory_space<hbm>>
      %dma_start3A_130 = tpu.memref_slice %arg3[%add3A_98] : memref<262144xi32, #tpu.memory_space<hbm>> -> memref<512xi32, #tpu.memory_space<hbm>>
      tpu.enqueue_dma source(%dma_start3A_130 : memref<512xi32, #tpu.memory_space<hbm>>) target(%arg5 : memref<512xi32, #tpu.memory_space<vmem>>) target_semaphore(%run_scoped3A : memref<!tpu.dma_semaphore, #tpu.memory_space<semaphore_mem>>)
      %dma_wait3A_131 = tpu.memref_slice %arg3[%add3A_98] : memref<262144xi32, #tpu.memory_space<hbm>> -> memref<512xi32, #tpu.memory_space<hbm>>
      %dma_wait3A_132 = tpu.memref_slice %arg3[%add3A_98] : memref<262144xi32, #tpu.memory_space<hbm>> -> memref<512xi32, #tpu.memory_space<hbm>>
      tpu.wait_dma2 semaphore(%run_scoped3A : memref<!tpu.dma_semaphore, #tpu.memory_space<semaphore_mem>>) src(%dma_wait3A_132 : memref<512xi32, #tpu.memory_space<hbm>>) dst(%arg5 : memref<512xi32, #tpu.memory_space<vmem>>)
      tpu.yield
    }) : () -> ()
    %dma_start3A_99 = arith.constant 0 : i32
    %dma_start3A_100 = arith.constant 0 : i32
    %dma_start3A_101 = tpu.memref_slice %arg2[%dma_start3A_99, %dma_start3A_100] : memref<65536x128xf32, #tpu.memory_space<hbm>> -> memref<65536x128xf32, #tpu.memory_space<hbm>>
    tpu.enqueue_indirect_dma source(%dma_start3A_101 : memref<65536x128xf32, #tpu.memory_space<hbm>>) target(%arg6 : memref<512x128xf32, #tpu.memory_space<vmem>>) offsets(%arg5 : memref<512xi32, #tpu.memory_space<vmem>>) semaphore(%arg7 : memref<!tpu.dma_semaphore, #tpu.memory_space<semaphore_mem>>)
    %dma_wait3A_102 = arith.constant 0 : i32
    %dma_wait3A_103 = arith.constant 0 : i32
    %dma_wait3A_104 = tpu.memref_slice %arg2[%dma_wait3A_102, %dma_wait3A_103] : memref<65536x128xf32, #tpu.memory_space<hbm>> -> memref<65536x128xf32, #tpu.memory_space<hbm>>
    tpu.wait_indirect_dma semaphore(%arg7 : memref<!tpu.dma_semaphore, #tpu.memory_space<semaphore_mem>>) src(%dma_wait3A_104 : memref<65536x128xf32, #tpu.memory_space<hbm>>) dst(%arg6 : memref<512x128xf32, #tpu.memory_space<vmem>>)
    "tpu.region"() ({
      %run_scoped3A = tpu.sem_alloc : memref<!tpu.dma_semaphore, #tpu.memory_space<semaphore_mem>>
      %dma_start3A_129 = arith.constant 0 : i32
      %dma_start3A_130 = tpu.memref_slice %arg4[%add3A_98, %dma_start3A_129] : memref<262144x128xf32, #tpu.memory_space<hbm>> -> memref<512x128xf32, #tpu.memory_space<hbm>>
      %dma_start3A_131 = arith.constant 0 : i32
      %dma_start3A_132 = tpu.memref_slice %arg4[%add3A_98, %dma_start3A_131] : memref<262144x128xf32, #tpu.memory_space<hbm>> -> memref<512x128xf32, #tpu.memory_space<hbm>>
      tpu.enqueue_dma source(%arg6 : memref<512x128xf32, #tpu.memory_space<vmem>>) target(%dma_start3A_132 : memref<512x128xf32, #tpu.memory_space<hbm>>) target_semaphore(%run_scoped3A : memref<!tpu.dma_semaphore, #tpu.memory_space<semaphore_mem>>)
      %dma_wait3A_133 = arith.constant 0 : i32
      %dma_wait3A_134 = tpu.memref_slice %arg4[%add3A_98, %dma_wait3A_133] : memref<262144x128xf32, #tpu.memory_space<hbm>> -> memref<512x128xf32, #tpu.memory_space<hbm>>
      %dma_wait3A_135 = arith.constant 0 : i32
      %dma_wait3A_136 = tpu.memref_slice %arg4[%add3A_98, %dma_wait3A_135] : memref<262144x128xf32, #tpu.memory_space<hbm>> -> memref<512x128xf32, #tpu.memory_space<hbm>>
      tpu.wait_dma2 semaphore(%run_scoped3A : memref<!tpu.dma_semaphore, #tpu.memory_space<semaphore_mem>>) src(%arg6 : memref<512x128xf32, #tpu.memory_space<vmem>>) dst(%dma_wait3A_136 : memref<512x128xf32, #tpu.memory_space<hbm>>)
      tpu.yield
    }) : () -> ()
    %add3A_105 = arith.constant 6656 : i32
    %add3A_106 = arith.addi %mul3A_2, %add3A_105 : i32
    "tpu.region"() ({
      %run_scoped3A = tpu.sem_alloc : memref<!tpu.dma_semaphore, #tpu.memory_space<semaphore_mem>>
      %dma_start3A_129 = tpu.memref_slice %arg3[%add3A_106] : memref<262144xi32, #tpu.memory_space<hbm>> -> memref<512xi32, #tpu.memory_space<hbm>>
      %dma_start3A_130 = tpu.memref_slice %arg3[%add3A_106] : memref<262144xi32, #tpu.memory_space<hbm>> -> memref<512xi32, #tpu.memory_space<hbm>>
      tpu.enqueue_dma source(%dma_start3A_130 : memref<512xi32, #tpu.memory_space<hbm>>) target(%arg5 : memref<512xi32, #tpu.memory_space<vmem>>) target_semaphore(%run_scoped3A : memref<!tpu.dma_semaphore, #tpu.memory_space<semaphore_mem>>)
      %dma_wait3A_131 = tpu.memref_slice %arg3[%add3A_106] : memref<262144xi32, #tpu.memory_space<hbm>> -> memref<512xi32, #tpu.memory_space<hbm>>
      %dma_wait3A_132 = tpu.memref_slice %arg3[%add3A_106] : memref<262144xi32, #tpu.memory_space<hbm>> -> memref<512xi32, #tpu.memory_space<hbm>>
      tpu.wait_dma2 semaphore(%run_scoped3A : memref<!tpu.dma_semaphore, #tpu.memory_space<semaphore_mem>>) src(%dma_wait3A_132 : memref<512xi32, #tpu.memory_space<hbm>>) dst(%arg5 : memref<512xi32, #tpu.memory_space<vmem>>)
      tpu.yield
    }) : () -> ()
    %dma_start3A_107 = arith.constant 0 : i32
    %dma_start3A_108 = arith.constant 0 : i32
    %dma_start3A_109 = tpu.memref_slice %arg2[%dma_start3A_107, %dma_start3A_108] : memref<65536x128xf32, #tpu.memory_space<hbm>> -> memref<65536x128xf32, #tpu.memory_space<hbm>>
    tpu.enqueue_indirect_dma source(%dma_start3A_109 : memref<65536x128xf32, #tpu.memory_space<hbm>>) target(%arg6 : memref<512x128xf32, #tpu.memory_space<vmem>>) offsets(%arg5 : memref<512xi32, #tpu.memory_space<vmem>>) semaphore(%arg7 : memref<!tpu.dma_semaphore, #tpu.memory_space<semaphore_mem>>)
    %dma_wait3A_110 = arith.constant 0 : i32
    %dma_wait3A_111 = arith.constant 0 : i32
    %dma_wait3A_112 = tpu.memref_slice %arg2[%dma_wait3A_110, %dma_wait3A_111] : memref<65536x128xf32, #tpu.memory_space<hbm>> -> memref<65536x128xf32, #tpu.memory_space<hbm>>
    tpu.wait_indirect_dma semaphore(%arg7 : memref<!tpu.dma_semaphore, #tpu.memory_space<semaphore_mem>>) src(%dma_wait3A_112 : memref<65536x128xf32, #tpu.memory_space<hbm>>) dst(%arg6 : memref<512x128xf32, #tpu.memory_space<vmem>>)
    "tpu.region"() ({
      %run_scoped3A = tpu.sem_alloc : memref<!tpu.dma_semaphore, #tpu.memory_space<semaphore_mem>>
      %dma_start3A_129 = arith.constant 0 : i32
      %dma_start3A_130 = tpu.memref_slice %arg4[%add3A_106, %dma_start3A_129] : memref<262144x128xf32, #tpu.memory_space<hbm>> -> memref<512x128xf32, #tpu.memory_space<hbm>>
      %dma_start3A_131 = arith.constant 0 : i32
      %dma_start3A_132 = tpu.memref_slice %arg4[%add3A_106, %dma_start3A_131] : memref<262144x128xf32, #tpu.memory_space<hbm>> -> memref<512x128xf32, #tpu.memory_space<hbm>>
      tpu.enqueue_dma source(%arg6 : memref<512x128xf32, #tpu.memory_space<vmem>>) target(%dma_start3A_132 : memref<512x128xf32, #tpu.memory_space<hbm>>) target_semaphore(%run_scoped3A : memref<!tpu.dma_semaphore, #tpu.memory_space<semaphore_mem>>)
      %dma_wait3A_133 = arith.constant 0 : i32
      %dma_wait3A_134 = tpu.memref_slice %arg4[%add3A_106, %dma_wait3A_133] : memref<262144x128xf32, #tpu.memory_space<hbm>> -> memref<512x128xf32, #tpu.memory_space<hbm>>
      %dma_wait3A_135 = arith.constant 0 : i32
      %dma_wait3A_136 = tpu.memref_slice %arg4[%add3A_106, %dma_wait3A_135] : memref<262144x128xf32, #tpu.memory_space<hbm>> -> memref<512x128xf32, #tpu.memory_space<hbm>>
      tpu.wait_dma2 semaphore(%run_scoped3A : memref<!tpu.dma_semaphore, #tpu.memory_space<semaphore_mem>>) src(%arg6 : memref<512x128xf32, #tpu.memory_space<vmem>>) dst(%dma_wait3A_136 : memref<512x128xf32, #tpu.memory_space<hbm>>)
      tpu.yield
    }) : () -> ()
    %add3A_113 = arith.constant 7168 : i32
    %add3A_114 = arith.addi %mul3A_2, %add3A_113 : i32
    "tpu.region"() ({
      %run_scoped3A = tpu.sem_alloc : memref<!tpu.dma_semaphore, #tpu.memory_space<semaphore_mem>>
      %dma_start3A_129 = tpu.memref_slice %arg3[%add3A_114] : memref<262144xi32, #tpu.memory_space<hbm>> -> memref<512xi32, #tpu.memory_space<hbm>>
      %dma_start3A_130 = tpu.memref_slice %arg3[%add3A_114] : memref<262144xi32, #tpu.memory_space<hbm>> -> memref<512xi32, #tpu.memory_space<hbm>>
      tpu.enqueue_dma source(%dma_start3A_130 : memref<512xi32, #tpu.memory_space<hbm>>) target(%arg5 : memref<512xi32, #tpu.memory_space<vmem>>) target_semaphore(%run_scoped3A : memref<!tpu.dma_semaphore, #tpu.memory_space<semaphore_mem>>)
      %dma_wait3A_131 = tpu.memref_slice %arg3[%add3A_114] : memref<262144xi32, #tpu.memory_space<hbm>> -> memref<512xi32, #tpu.memory_space<hbm>>
      %dma_wait3A_132 = tpu.memref_slice %arg3[%add3A_114] : memref<262144xi32, #tpu.memory_space<hbm>> -> memref<512xi32, #tpu.memory_space<hbm>>
      tpu.wait_dma2 semaphore(%run_scoped3A : memref<!tpu.dma_semaphore, #tpu.memory_space<semaphore_mem>>) src(%dma_wait3A_132 : memref<512xi32, #tpu.memory_space<hbm>>) dst(%arg5 : memref<512xi32, #tpu.memory_space<vmem>>)
      tpu.yield
    }) : () -> ()
    %dma_start3A_115 = arith.constant 0 : i32
    %dma_start3A_116 = arith.constant 0 : i32
    %dma_start3A_117 = tpu.memref_slice %arg2[%dma_start3A_115, %dma_start3A_116] : memref<65536x128xf32, #tpu.memory_space<hbm>> -> memref<65536x128xf32, #tpu.memory_space<hbm>>
    tpu.enqueue_indirect_dma source(%dma_start3A_117 : memref<65536x128xf32, #tpu.memory_space<hbm>>) target(%arg6 : memref<512x128xf32, #tpu.memory_space<vmem>>) offsets(%arg5 : memref<512xi32, #tpu.memory_space<vmem>>) semaphore(%arg7 : memref<!tpu.dma_semaphore, #tpu.memory_space<semaphore_mem>>)
    %dma_wait3A_118 = arith.constant 0 : i32
    %dma_wait3A_119 = arith.constant 0 : i32
    %dma_wait3A_120 = tpu.memref_slice %arg2[%dma_wait3A_118, %dma_wait3A_119] : memref<65536x128xf32, #tpu.memory_space<hbm>> -> memref<65536x128xf32, #tpu.memory_space<hbm>>
    tpu.wait_indirect_dma semaphore(%arg7 : memref<!tpu.dma_semaphore, #tpu.memory_space<semaphore_mem>>) src(%dma_wait3A_120 : memref<65536x128xf32, #tpu.memory_space<hbm>>) dst(%arg6 : memref<512x128xf32, #tpu.memory_space<vmem>>)
    "tpu.region"() ({
      %run_scoped3A = tpu.sem_alloc : memref<!tpu.dma_semaphore, #tpu.memory_space<semaphore_mem>>
      %dma_start3A_129 = arith.constant 0 : i32
      %dma_start3A_130 = tpu.memref_slice %arg4[%add3A_114, %dma_start3A_129] : memref<262144x128xf32, #tpu.memory_space<hbm>> -> memref<512x128xf32, #tpu.memory_space<hbm>>
      %dma_start3A_131 = arith.constant 0 : i32
      %dma_start3A_132 = tpu.memref_slice %arg4[%add3A_114, %dma_start3A_131] : memref<262144x128xf32, #tpu.memory_space<hbm>> -> memref<512x128xf32, #tpu.memory_space<hbm>>
      tpu.enqueue_dma source(%arg6 : memref<512x128xf32, #tpu.memory_space<vmem>>) target(%dma_start3A_132 : memref<512x128xf32, #tpu.memory_space<hbm>>) target_semaphore(%run_scoped3A : memref<!tpu.dma_semaphore, #tpu.memory_space<semaphore_mem>>)
      %dma_wait3A_133 = arith.constant 0 : i32
      %dma_wait3A_134 = tpu.memref_slice %arg4[%add3A_114, %dma_wait3A_133] : memref<262144x128xf32, #tpu.memory_space<hbm>> -> memref<512x128xf32, #tpu.memory_space<hbm>>
      %dma_wait3A_135 = arith.constant 0 : i32
      %dma_wait3A_136 = tpu.memref_slice %arg4[%add3A_114, %dma_wait3A_135] : memref<262144x128xf32, #tpu.memory_space<hbm>> -> memref<512x128xf32, #tpu.memory_space<hbm>>
      tpu.wait_dma2 semaphore(%run_scoped3A : memref<!tpu.dma_semaphore, #tpu.memory_space<semaphore_mem>>) src(%arg6 : memref<512x128xf32, #tpu.memory_space<vmem>>) dst(%dma_wait3A_136 : memref<512x128xf32, #tpu.memory_space<hbm>>)
      tpu.yield
    }) : () -> ()
    %add3A_121 = arith.constant 7680 : i32
    %add3A_122 = arith.addi %mul3A_2, %add3A_121 : i32
    "tpu.region"() ({
      %run_scoped3A = tpu.sem_alloc : memref<!tpu.dma_semaphore, #tpu.memory_space<semaphore_mem>>
      %dma_start3A_129 = tpu.memref_slice %arg3[%add3A_122] : memref<262144xi32, #tpu.memory_space<hbm>> -> memref<512xi32, #tpu.memory_space<hbm>>
      %dma_start3A_130 = tpu.memref_slice %arg3[%add3A_122] : memref<262144xi32, #tpu.memory_space<hbm>> -> memref<512xi32, #tpu.memory_space<hbm>>
      tpu.enqueue_dma source(%dma_start3A_130 : memref<512xi32, #tpu.memory_space<hbm>>) target(%arg5 : memref<512xi32, #tpu.memory_space<vmem>>) target_semaphore(%run_scoped3A : memref<!tpu.dma_semaphore, #tpu.memory_space<semaphore_mem>>)
      %dma_wait3A_131 = tpu.memref_slice %arg3[%add3A_122] : memref<262144xi32, #tpu.memory_space<hbm>> -> memref<512xi32, #tpu.memory_space<hbm>>
      %dma_wait3A_132 = tpu.memref_slice %arg3[%add3A_122] : memref<262144xi32, #tpu.memory_space<hbm>> -> memref<512xi32, #tpu.memory_space<hbm>>
      tpu.wait_dma2 semaphore(%run_scoped3A : memref<!tpu.dma_semaphore, #tpu.memory_space<semaphore_mem>>) src(%dma_wait3A_132 : memref<512xi32, #tpu.memory_space<hbm>>) dst(%arg5 : memref<512xi32, #tpu.memory_space<vmem>>)
      tpu.yield
    }) : () -> ()
    %dma_start3A_123 = arith.constant 0 : i32
    %dma_start3A_124 = arith.constant 0 : i32
    %dma_start3A_125 = tpu.memref_slice %arg2[%dma_start3A_123, %dma_start3A_124] : memref<65536x128xf32, #tpu.memory_space<hbm>> -> memref<65536x128xf32, #tpu.memory_space<hbm>>
    tpu.enqueue_indirect_dma source(%dma_start3A_125 : memref<65536x128xf32, #tpu.memory_space<hbm>>) target(%arg6 : memref<512x128xf32, #tpu.memory_space<vmem>>) offsets(%arg5 : memref<512xi32, #tpu.memory_space<vmem>>) semaphore(%arg7 : memref<!tpu.dma_semaphore, #tpu.memory_space<semaphore_mem>>)
    %dma_wait3A_126 = arith.constant 0 : i32
    %dma_wait3A_127 = arith.constant 0 : i32
    %dma_wait3A_128 = tpu.memref_slice %arg2[%dma_wait3A_126, %dma_wait3A_127] : memref<65536x128xf32, #tpu.memory_space<hbm>> -> memref<65536x128xf32, #tpu.memory_space<hbm>>
    tpu.wait_indirect_dma semaphore(%arg7 : memref<!tpu.dma_semaphore, #tpu.memory_space<semaphore_mem>>) src(%dma_wait3A_128 : memref<65536x128xf32, #tpu.memory_space<hbm>>) dst(%arg6 : memref<512x128xf32, #tpu.memory_space<vmem>>)
    "tpu.region"() ({
      %run_scoped3A = tpu.sem_alloc : memref<!tpu.dma_semaphore, #tpu.memory_space<semaphore_mem>>
      %dma_start3A_129 = arith.constant 0 : i32
      %dma_start3A_130 = tpu.memref_slice %arg4[%add3A_122, %dma_start3A_129] : memref<262144x128xf32, #tpu.memory_space<hbm>> -> memref<512x128xf32, #tpu.memory_space<hbm>>
      %dma_start3A_131 = arith.constant 0 : i32
      %dma_start3A_132 = tpu.memref_slice %arg4[%add3A_122, %dma_start3A_131] : memref<262144x128xf32, #tpu.memory_space<hbm>> -> memref<512x128xf32, #tpu.memory_space<hbm>>
      tpu.enqueue_dma source(%arg6 : memref<512x128xf32, #tpu.memory_space<vmem>>) target(%dma_start3A_132 : memref<512x128xf32, #tpu.memory_space<hbm>>) target_semaphore(%run_scoped3A : memref<!tpu.dma_semaphore, #tpu.memory_space<semaphore_mem>>)
      %dma_wait3A_133 = arith.constant 0 : i32
      %dma_wait3A_134 = tpu.memref_slice %arg4[%add3A_122, %dma_wait3A_133] : memref<262144x128xf32, #tpu.memory_space<hbm>> -> memref<512x128xf32, #tpu.memory_space<hbm>>
      %dma_wait3A_135 = arith.constant 0 : i32
      %dma_wait3A_136 = tpu.memref_slice %arg4[%add3A_122, %dma_wait3A_135] : memref<262144x128xf32, #tpu.memory_space<hbm>> -> memref<512x128xf32, #tpu.memory_space<hbm>>
      tpu.wait_dma2 semaphore(%run_scoped3A : memref<!tpu.dma_semaphore, #tpu.memory_space<semaphore_mem>>) src(%arg6 : memref<512x128xf32, #tpu.memory_space<vmem>>) dst(%dma_wait3A_136 : memref<512x128xf32, #tpu.memory_space<hbm>>)
      tpu.yield
    }) : () -> ()
    return
  }
}

module attributes {stable_mosaic.version = 14 : i64} {
  func.func @_topk_kernel(%arg0: i32, %arg1: memref<256x8192xf32, #tpu.memory_space<vmem>>, %arg2: memref<256x64xi32, #tpu.memory_space<vmem>>, %arg3: memref<256x8192xf32, #tpu.memory_space<vmem>>) attributes {dimension_semantics = [#tpu.dimension_semantics<arbitrary>], iteration_bounds = array<i64: 16>, scalar_prefetch = 0 : i64, scratch_operands = 1 : i64, tpu.core_type = #tpu.core_type<tc>, window_params = [{transform_indices = @transform_0, window_bounds = array<i64: 256, 8192>}, {transform_indices = @transform_1, window_bounds = array<i64: 256, 64>}]} {
    %get3A = arith.constant 0 : index
    %get3A_0 = arith.constant 0 : index
    %get3A_1 = vector.load %arg1[%get3A, %get3A_0] : memref<256x8192xf32, #tpu.memory_space<vmem>>, vector<256x8192xf32>
    %logistic3A = arith.negf %get3A_1 : vector<256x8192xf32>
    %logistic3A_2 = math.exp %logistic3A : vector<256x8192xf32>
    %logistic3A_3 = arith.constant 1.000000e+00 : f32
    %logistic3A_4 = vector.broadcast %logistic3A_3 : f32 to vector<256x8192xf32>
    %logistic3A_5 = arith.addf %logistic3A_4, %logistic3A_2 : vector<256x8192xf32>
    %logistic3A_6 = arith.divf %logistic3A_4, %logistic3A_5 : vector<256x8192xf32>
    %swap3A = arith.constant 0 : index
    %swap3A_7 = arith.constant 0 : index
    %swap3A_8 = vector.load %arg3[%swap3A, %swap3A_7] : memref<256x8192xf32, #tpu.memory_space<vmem>>, vector<256x8192xf32>
    tpu.vector_store %arg3[%swap3A, %swap3A_7], %logistic3A_6 {strides = array<i32>} : memref<256x8192xf32, #tpu.memory_space<vmem>>, vector<256x8192xf32>,
    %iota3A = tpu.iota {dimensions = array<i32: 1>} : vector<256x8192xi32>
    %iota3A_9 = tpu.iota {dimensions = array<i32: 1>} : vector<256x64xi32>
    %broadcast_in_dim3A = arith.constant 0 : i32
    %broadcast_in_dim3A_10 = vector.broadcast %broadcast_in_dim3A : i32 to vector<256x64xi32>
    %scan3A = arith.constant 0 : i32
    %scan3A_11 = arith.constant 64 : i32
    %scan3A_12 = arith.addi %scan3A, %scan3A_11 : i32
    %scan3A_13 = arith.constant 1 : i32
    %scan3A_14 = scf.for %scan3A_19 = %scan3A to %scan3A_12 step %scan3A_13 iter_args(%scan3A_20 = %broadcast_in_dim3A_10) -> (vector<256x64xi32>)  : i32 {
      %get3A_21 = arith.constant 0 : index
      %get3A_22 = arith.constant 0 : index
      %get3A_23 = vector.load %arg3[%get3A_21, %get3A_22] : memref<256x8192xf32, #tpu.memory_space<vmem>>, vector<256x8192xf32>
      %reduce_max3A = arith.constant dense<0xFF800000> : vector<256xf32>
      %reduce_max3A_24 = vector.multi_reduction <maximumf>, %get3A_23, %reduce_max3A [1] : vector<256x8192xf32> to vector<256xf32>
      %broadcast_in_dim3A_25 = vector.shape_cast %reduce_max3A_24 : vector<256xf32> to vector<256x1xf32>
      %ge3A = vector.broadcast %broadcast_in_dim3A_25 : vector<256x1xf32> to vector<256x8192xf32>
      %ge3A_26 = arith.cmpf oge, %get3A_23, %ge3A : vector<256x8192xf32>
      %jit3A = arith.constant 8192 : i32
      %broadcast_in_dim3A_27 = vector.broadcast %jit3A : i32 to vector<256x8192xi32>
      %select_n3A = arith.select %ge3A_26, %iota3A, %broadcast_in_dim3A_27 : vector<256x8192xi1>, vector<256x8192xi32>
      %reduce_min3A = arith.constant dense<2147483647> : vector<256xi32>
      %reduce_min3A_28 = vector.multi_reduction <minsi>, %select_n3A, %reduce_min3A [1] : vector<256x8192xi32> to vector<256xi32>
      %broadcast_in_dim3A_29 = vector.shape_cast %reduce_min3A_28 : vector<256xi32> to vector<256x1xi32>
      %eq3A = vector.broadcast %broadcast_in_dim3A_29 : vector<256x1xi32> to vector<256x8192xi32>
      %eq3A_30 = arith.cmpi eq, %iota3A, %eq3A : vector<256x8192xi32>
      %jit3A_31 = arith.constant -1.000000e+00 : f32
      %broadcast_in_dim3A_32 = vector.broadcast %jit3A_31 : f32 to vector<256x8192xf32>
      %select_n3A_33 = arith.select %eq3A_30, %broadcast_in_dim3A_32, %get3A_23 : vector<256x8192xi1>, vector<256x8192xf32>
      %swap3A_34 = arith.constant 0 : index
      %swap3A_35 = arith.constant 0 : index
      %swap3A_36 = vector.load %arg3[%swap3A_34, %swap3A_35] : memref<256x8192xf32, #tpu.memory_space<vmem>>, vector<256x8192xf32>
      tpu.vector_store %arg3[%swap3A_34, %swap3A_35], %select_n3A_33 {strides = array<i32>} : memref<256x8192xf32, #tpu.memory_space<vmem>>, vector<256x8192xf32>,
      %eq3A_37 = vector.broadcast %scan3A_19 : i32 to vector<256x64xi32>
      %eq3A_38 = arith.cmpi eq, %iota3A_9, %eq3A_37 : vector<256x64xi32>
      %broadcast_in_dim3A_39 = vector.shape_cast %broadcast_in_dim3A_29 : vector<256x1xi32> to vector<256x1xi32>
      %broadcast_in_dim3A_40 = vector.broadcast %broadcast_in_dim3A_39 : vector<256x1xi32> to vector<256x64xi32>
      %select_n3A_41 = arith.select %eq3A_38, %broadcast_in_dim3A_40, %scan3A_20 : vector<256x64xi1>, vector<256x64xi32>
      scf.yield %select_n3A_41 : vector<256x64xi32>
    }
    %scan3A_15 = arith.constant 64 : i32
    %swap3A_16 = arith.constant 0 : index
    %swap3A_17 = arith.constant 0 : index
    %swap3A_18 = vector.load %arg2[%swap3A_16, %swap3A_17] : memref<256x64xi32, #tpu.memory_space<vmem>>, vector<256x64xi32>
    tpu.vector_store %arg2[%swap3A_16, %swap3A_17], %scan3A_14 {strides = array<i32>} : memref<256x64xi32, #tpu.memory_space<vmem>>, vector<256x64xi32>,
    return
  }
  func.func @transform_0(%arg0: i32) -> (i32, i32) {
    %c0_i32 = arith.constant 0 : i32
    %c0_i32_0 = arith.constant 0 : i32
    return %arg0, %c0_i32 : i32, i32
  }
  func.func @transform_1(%arg0: i32) -> (i32, i32) {
    %c0_i32 = arith.constant 0 : i32
    %c0_i32_0 = arith.constant 0 : i32
    return %arg0, %c0_i32 : i32, i32
  }
}

</mosaic_0001>

<sc_bundles>
// kernel: kernel.4.cloned.1.call-start
scs
__scs_entry_jumppad:
0x0: {  	(pc) =	sbr.rel $0x88, $3  }
0x1: {  	(tag) =	ssettag $0x0;
	lr =	simm.s32 $0x1  }
0x2: {  	[smem:$0x3F91] =	sst lr;
	_ =	strace $0xD0000000  }
0x3: {  	_ = 	snop  }
0x4: {  	_ = 	snop  }
0x5: {  	_ = 	snop  }
0x6: {  	_ = 	snop  }
0x7: {  	_ = 	snop  }
__scs_overlays_trampoline_lowered:
0x8: {  	[smem:$0x3FA0] =	sst s0  }
0x9: {  	[smem:$0x3FA1] =	sst s1  }
0xa: {  	[smem:$0x3FA2] =	sst s2  }
0xb: {  	[smem:$0x3FA3] =	sst s3  }
0xc: {  	[smem:$0x3FA4] =	sst s4  }
0xd: {  	[smem:$0x3FA5] =	sst s5  }
0xe: {  	[smem:$0x3FA6] =	sst s6  }
0xf: {  	[smem:$0x3FA7] =	sst s7  }
0x10: {  	[smem:$0x3FA8] =	sst s8  }
0x11: {  	[smem:$0x3FA9] =	sst s9;
	s0 =	simm.s32 @!p0 $0x0  }
0x12: {  	s1 =	sld [smem:$0x3F8F];
	s0 =	simm.s32 @p0 $0x1  }
0x13: {  	[smem:$0x3FAA] =	sst s0;
	s0 =	simm.s32 @!p1 $0x0  }
0x14: {  	s2 =	sld [smem:$0x3F8E];
	s0 =	simm.s32 @p1 $0x1  }
0x15: {  	[smem:$0x3FAB] =	sst s0;
	s0 =	simm.s32 @!p2 $0x0  }
0x16: {  	s3 =	sld [smem:$0x3FDB];
	s0 =	simm.s32 @p2 $0x1  }
0x17: {  	s4 =	simm.s32 $0x1BF5;
	[smem:$0x3FAD] =	sst s0  }
0x18: {  	s0 =	sld [smem:$0x3F90];
	_ =	swait.ge [sflag:s4], $0x0  }
0x19: {  	s7 =	sld [smem:$0x3F91]  }
0x1a: {  	s8 =	sadd.s32 $0xFFFFE003, lr  }
0x1b: {  	s9 =	sadd.s32 $0xFFFFFEF7, lr;
	s5 =	simm.s32 $0xFFFFFFFF;
	p2 =	slt.u32 s8, $0xFFFFF086  }
0x1c: {  	p1 =	slt.u32 s9, $0xF7A;
	s5 =	simm.s32 @!p2 $0x0  }
0x1d: {  	s5 =	simm.s32 @p1 $0x1;
	p0 =	seq.s32 s7, s2  }
0x1e: {  	s7 =	smul.u32 @!p0 $0xF7A, s2;
	p2 =	seq.s32 @!p0 s5, $0x0  }
0x1f: {  	s9 =	smul.u32 $0xF7A, s1;
	s8 =	simm.s32 @!p0 $0x1BF5;
	p2 =	por !p2, p0  }
0x20: {  	[sflag:s8] =	ssyncset.s32 @!p0 $0xFFFFF086;
	s6 =	sadd.s32 @!p0 s3, s7;
	s7 =	simm.s32 @!p0 $0x108  }
0x21: {  	s3 =	sadd.s32 s3, s9;
	s6 =	sadd.s32 @!p0 $0x88, s6;
	s7 =	simm.s32 @p2 $0x1082  }
0x22: {  	[simem:s7], [sflag:s8] =	dma.local @!p0 [hbm:s6], $0xF7A  }
0x23: {  	s9 =	sor.u32 $0xD0000000, s2;
	s6 =	simm.s32 $0x108;
	_ =	swait.ge @!p0 [sflag:s8], $0x0  }
0x24: {  	s3 =	sadd.s32 $0x88, s3;
	s6 =	simm.s32 @!p1 $0x1082;
	[sflag:s4] =	ssyncset.s32 $0xFFFFF086  }
0x25: {  	[simem:s6], [sflag:s4] =	dma.local [hbm:s3], $0xF7A  }
0x26: {  	[smem:$0x3F91] =	sst s1;
	(tag) =	ssettag s2;
	_ =	strace s9  }
0x27: {  	s1 =	sld [smem:$0x3FA1]  }
0x28: {  	s2 =	sld [smem:$0x3FA2]  }
0x29: {  	s4 =	sld [smem:$0x3FA4]  }
0x2a: {  	p0 =	seq.s32 s5, $0x0;
	s5 =	sld [smem:$0x3FA5]  }
0x2b: {  	s6 =	sld [smem:$0x3FA6]  }
0x2c: {  	s7 =	sld [smem:$0x3FA7]  }
0x2d: {  	s3 =	simm.s32 $0x108;
	s8 =	sld [smem:$0x3FA8]  }
0x2e: {  	s3 =	simm.s32 @!p0 $0x1082;
	s9 =	sld [smem:$0x3FA9]  }
0x2f: {  	lr =	sadd.s32 s0, s3;
	s0 =	sld [smem:$0x3FA0]  }
0x30: {  	s3 =	sld [smem:$0x3FA3]  }
0x31: {  	[smem:$0x3FAC] =	sst s10  }
0x32: {  	s10 =	sld [smem:$0x3FAA];
	_ =	sdelay $0x3  }
0x33: {  	p0 =	seq.s32 s10, $0x1;
	s10 =	sld [smem:$0x3FAC];
	_ =	sdelay $0x3  }
0x34: {  	[smem:$0x3FAC] =	sst s10  }
0x35: {  	s10 =	sld [smem:$0x3FAB];
	_ =	sdelay $0x3  }
0x36: {  	p1 =	seq.s32 s10, $0x1;
	s10 =	sld [smem:$0x3FAC];
	_ =	sdelay $0x3  }
0x37: {  	[smem:$0x3FAC] =	sst s10  }
0x38: {  	s10 =	sld [smem:$0x3FAD]  }
0x39: {  	_ = 	snop;
	(pc) =	sbr.ind lr, $3  }
0x3a: {  	_ = 	snop  }
0x3b: {  	_ = 	snop  }
0x3c: {  	p2 =	seq.s32 s10, $0x1;
	s10 =	sld [smem:$0x3FAC]  }
0x3d: {  	_ =	shalt  }
0x3e: {  	_ =	shalt  }
0x3f: {  	_ =	shalt  }
0x40: {  	_ =	shalt  }
0x41: {  	_ =	shalt  }
0x42: {  	_ =	shalt  }
0x43: {  	_ =	shalt  }
0x44: {  	_ =	shalt  }
0x45: {  	_ =	shalt  }
0x46: {  	_ =	shalt  }
0x47: {  	_ =	shalt  }
0x48: {  	_ =	shalt  }
0x49: {  	_ =	shalt  }
0x4a: {  	_ =	shalt  }
0x4b: {  	_ =	shalt  }
0x4c: {  	_ =	shalt  }
0x4d: {  	_ =	shalt  }
0x4e: {  	_ =	shalt  }
0x4f: {  	_ =	shalt  }
0x50: {  	_ =	shalt  }
0x51: {  	_ =	shalt  }
0x52: {  	_ =	shalt  }
0x53: {  	_ =	shalt  }
0x54: {  	_ =	shalt  }
0x55: {  	_ =	shalt  }
0x56: {  	_ =	shalt  }
0x57: {  	_ =	shalt  }
0x58: {  	_ =	shalt  }
0x59: {  	_ =	shalt  }
0x5a: {  	_ =	shalt  }
0x5b: {  	_ =	shalt  }
0x5c: {  	_ =	shalt  }
0x5d: {  	_ =	shalt  }
0x5e: {  	_ =	shalt  }
0x5f: {  	_ =	shalt  }
0x60: {  	_ =	shalt  }
0x61: {  	_ =	shalt  }
0x62: {  	_ =	shalt  }
0x63: {  	_ =	shalt  }
0x64: {  	_ =	shalt  }
0x65: {  	_ =	shalt  }
0x66: {  	_ =	shalt  }
0x67: {  	_ =	shalt  }
0x68: {  	_ =	shalt  }
0x69: {  	_ =	shalt  }
0x6a: {  	_ =	shalt  }
0x6b: {  	_ =	shalt  }
0x6c: {  	_ =	shalt  }
0x6d: {  	_ =	shalt  }
0x6e: {  	_ =	shalt  }
0x6f: {  	_ =	shalt  }
0x70: {  	_ =	shalt  }
0x71: {  	_ =	shalt  }
0x72: {  	_ =	shalt  }
0x73: {  	_ =	shalt  }
0x74: {  	_ =	shalt  }
0x75: {  	_ =	shalt  }
0x76: {  	_ =	shalt  }
0x77: {  	_ =	shalt  }
0x78: {  	_ =	shalt  }
0x79: {  	_ =	shalt  }
0x7a: {  	_ =	shalt  }
0x7b: {  	_ =	shalt  }
0x7c: {  	_ =	shalt  }
0x7d: {  	_ =	shalt  }
0x7e: {  	_ =	shalt  }
0x7f: {  	_ =	shalt  }
0x80: {  	_ =	shalt  }
0x81: {  	_ =	shalt  }
0x82: {  	_ =	shalt  }
0x83: {  	_ =	shalt  }
0x84: {  	_ =	shalt  }
0x85: {  	_ =	shalt  }
0x86: {  	_ =	shalt  }
0x87: {  	_ =	shalt  }
.Lfunc_end0:
.L_simem_size_0:
called_computation.2_lowered:
.L_overlay_start_0:
0x88: {  	s2 =	sld [smem:$0x3FD9]  }
0x89: {  	s3 =	sld [smem:$0x3FFE];
	_ =	sdelay $0x1  }
0x8a: {  	s1 =	srdreg.scid  }
0x8b: {  	s0 =	sand.u32 $0x1, s1  }
0x8c: {  	s14 =	sshll.u32 s0, $0xA;
	s2 =	sadd.s32 s3, s2  }
0x8d: {  	s2 =	sadd.s32 s2, s14  }
0x8e: {  	[smem:$0x3FB8] =	sst s2  }
0x8f: {  	_ = 	snop  }
0x90: {  	s2 =	sld [smem:$0x3FD0];
	_ =	sdelay $0x2  }
0x91: {  	s15 =	simm.s32 $0xB;
	s4 =	simm.s32 $0x10  }
0x92: {  	[smem:s4], [sflag:s15] =	dma.local [hbm:s2], $0x1  }
0x93: {  	_ =	swait.eq [sflag:s15], $0x1  }
0x94: {  	[sflag:s15] =	ssyncset.done $0x0  }
0x95: {  	s16 =	sld [smem:$0x13];
	[sflag:s15] =	ssyncadd.s32 $0xFFFFFFFF  }
0x96: {  	s17 =	sld [smem:$0x15];
	(tm) =	ssettm $0x1  }
0x97: {  	s18 =	sld [smem:$0x3FFB];
	_ =	sdelay $0x3  }
0x98: {  	_ =	strace s18  }
0x99: {  	s4 =	sld [smem:$0x3FFC];
	_ =	sdelay $0x3  }
0x9a: {  	_ =	strace s4  }
0x9b: {  	s4 =	sld [smem:$0x3FFD];
	_ =	sdelay $0x3  }
0x9c: {  	_ =	strace s4  }
0x9d: {  	_ =	strace $0x8FFFFFFF  }
0x9e: {  	s19 =	sld [smem:$0x3FDB];
	_ =	sdelay $0x1  }
0x9f: {  	s5 =	simm.s32 $_scs_section_size  }
0xa0: {  	s6 =	simm.s32 $_size__tile_overlayer_lowered;
	s7 =	simm.s32 $_tile_overlayer_lowered  }
0xa1: {  	s22 =	simm.s32 $0x1BFF;
	s21 =	sshll.u32 s7, $0x1;
	s4 =	sadd.s32 s5, s19  }
0xa2: {  	s8 =	simm.s32 $0x0;
	s20 =	sshll.u32 s6, $0x1;
	s6 =	sadd.s32 s21, s4  }
0xa3: {  	[timem:s8], [sflag:s22] =	dma.local [hbm:s6], s20  }
0xa4: {  	_ =	swait.ge [sflag:s22], s20  }
0xa5: {  	s5 =	ssub.s32 $0x0, s20;
	[sflag:s22] =	ssyncset.done $0x0  }
0xa6: {  	[sflag:s22] =	ssyncadd.s32 s5;
	_ =	sdelay $0x1  }
0xa7: {  	s23 =	simm.s32 $0x1B8B  }
0xa8: {  	_ =	swait.ge [sflag:s23], $0x1  }
0xa9: {  	[sflag:s23] =	ssyncset.done $0x0  }
0xaa: {  	s25 =	simm.s32 $0x1B8E;
	s24 =	sld [smem:$0x3FFE];
	[sflag:s23] =	ssyncadd.s32 $0xFFFFFFFF  }
0xab: {  	s26 =	simm.s32 $execute0_lowered;
	[smem:$0x3FD2] =	sst s25  }
0xac: {  	s6 =	sshll.u32 s26, $0x1;
	_ =	strace $0x80000046;
	[dreg:$0x1] =	wrdreg $0xFFFFFFFF  }
0xad: {  	s28 =	simm.s32 $_size_execute0_lowered;
	s4 =	sadd.s32 s4, s6;
	[dreg:$0x0] =	wrdreg $0x0  }
0xae: {  	s6 =	sshll.u32 s28, $0x1;
	[dreg:$0x2] =	wrdreg s4  }
0xaf: {  	[dreg:$0x3] =	wrdreg s6  }
0xb0: {  	[dreg:$0x4] =	wrdreg $0xC0  }
0xb1: {  	_ =	task [dreg:s8], $0x5FFFF  }
0xb2: {  	[dreg:$0x1] =	wrdreg $0xFFFFFFFF  }
0xb3: {  	[dreg:$0x0] =	wrdreg $0x60  }
0xb4: {  	[dreg:$0x2] =	wrdreg s17  }
0xb5: {  	[dreg:$0x3] =	wrdreg s16  }
0xb6: {  	[dreg:$0x4] =	wrdreg s24  }
0xb7: {  	[dreg:$0x5] =	wrdreg $0x9  }
0xb8: {  	_ =	task.clear_ibuf [dreg:s8], $0x6FFFF;
	_ =	strace $0x90000046  }
0xb9: {  	s29 =	simm.s32 $0x9;
	_ =	strace $0x80000048  }
0xba: {  	_ =	swait.ge [sflag:s29], $0x1  }
0xbb: {  	[sflag:s29] =	ssyncadd.s32 $0xFFFFFFFF  }
0xbc: {  	_ =	strace $0x90000048  }
0xbd: {  	_ =	sfence  }
0xbe: {  	s30 =	sld [smem:$0x0];
	_ =	sdelay $0x2  }
0xbf: {  	s31 =	sshll.u32 s1, $0xD;
	s1 =	sshrl.u32 s1, $0x2  }
0xc0: {  	s3 =	sand.u32 $0x4000, s31;
	s1 =	sadd.s32 s1, s30  }
0xc1: {  	s0 =	sor.u32 s3, s0;
	s1 =	sshll.u32 s1, $0x11  }
0xc2: {  	s0 =	sor.u32 s1, s0  }
0xc3: {  	s0 =	sadd.s32 $0x8F2B, s0  }
0xc4: {  	[sflag:s0] =	ssyncadd.remote.s32 $0x1  }
0xc5: {  	_ =	sfence.sel $0xFFFF  }
0xc6: {  	[dreg:$0x0] =	wrdreg $0xFFFFFFFF;
	(pc) =	sbr.abs _section_cstart, $3  }
0xc7: {  	[dreg:$0x1] =	wrdreg $0xFFFFFFFF  }
0xc8: {  	_ =	task.clear_ibuf [dreg:s8], $0x2FFFF;
	_ =	strace $0x9FFFFFFF  }
0xc9: {  	(tm) =	ssettm $0x7FFFFFFF  }
tec
execute0_lowered:
.L_overlay_start_1:
0x0: {  	(tag) =	ssettag $0x1  }
0x1: {  	s2 =	rddreg [dreg:$0x0]  }
0x2: {  	s31 =	rddreg [dreg:$0x1];
	s1 =	srdreg.scid  }
0x3: {  	s4 =	rddreg [dreg:$0x2];
	s0 =	stileid.u32;
	s1 =	sand.u32 $0x1, s1  }
0x4: {  	s3 =	simm.s32 $0x0;
	s5 =	sshll.u32 s0, $0xE;
	s6 =	sshll.u32 s1, $0xD  }
0x5: {  	[smem:$0x7FF] =	sst s3;
	s30 =	sor.u32 s6, s5  }
0x6: {  	s0 =	sadd.s32 $0x1200, s4;
	_ =	strace $0x80000047;
	s5 =	sshrl.u32 s30, $0x3  }
0x7: {  	s7 =	sshll.u32 s30, $0x4;
	s9 =	sor.u32 $0x200, s30;
	s6 =	sadd.s32 s31, s5  }
0x8: {  	s8 =	sadd.s32 s0, s7;
	s10 =	sshrl.u32 s9, $0x3;
	[dreg:$0x4] =	wrdreg s6  }
0x9: {  	s5 =	sshll.u32 s9, $0x4;
	[dreg:$0x5] =	wrdreg s8;
	s4 =	sadd.s32 s31, s10  }
0xa: {  	s16 =	sor.u32 $0x600, s30;
	s11 =	sadd.s32 s0, s5;
	[dreg:$0x6] =	wrdreg s4  }
0xb: {  	s17 =	sshrl.u32 s16, $0x3;
	s6 =	sor.u32 $0x400, s30;
	[dreg:$0x7] =	wrdreg s11  }
0xc: {  	s5 =	sshll.u32 s16, $0x4;
	s4 =	sadd.s32 s31, s17;
	s18 =	rddreg [dreg:$0x4]  }
0xd: {  	s12 =	sshrl.u32 s6, $0x3;
	s19 =	sadd.s32 s0, s5;
	[dreg:$0xa] =	wrdreg s4  }
0xe: {  	s14 =	sshll.u32 s6, $0x4;
	s13 =	sadd.s32 s31, s12;
	[dreg:$0xb] =	wrdreg s19  }
0xf: {  	[tilespmem:s3], [sflag:$0x2] =	stream.linear.gather [hbm4b:s18+s3], $0x200, $0x38;
	[tilespmem:$0x10200] =	vst v63  }
0x10: {  	s15 =	sadd.s32 s0, s14;
	[dreg:$0x8] =	wrdreg s13  }
0x11: {  	s4 =	simm.s32 $0x2;
	[dreg:$0x9] =	wrdreg s15  }
0x12: {  	_ =	swait.ge [sflag:s4], $0x200  }
0x13: {  	[sflag:s4] =	ssyncset.done $0x0  }
0x14: {  	s5 =	simm.s32 $0x200;
	s6 =	simm.s32 $0x1;
	[sflag:s4] =	ssyncadd.s32 $0xFFFFFE00  }
0x15: {  	[tilespmem:s5], [sflag:$0x1] =	stream.indirect.gather [hbm4b:s2+s5], $0x80, s3, s5, $0xb8;
	[tilespmem:$0x10200] =	vst v63  }
0x16: {  	_ =	swait.ge [sflag:s6], $0x10000  }
0x17: {  	[sflag:s6] =	ssyncset.done $0x0  }
0x18: {  	s7 =	rddreg [dreg:$0x5];
	[sflag:s6] =	ssyncadd.s32 $0xFFFF0000  }
0x19: {  	[hbm4b:s7+s3] =	stream.linear.scatter [tilespmem:s5], [sflag:$0x2], $0x10000, $0x38;
	[tilespmem:$0x10200] =	vst v63  }
0x1a: {  	_ =	swait.ge [sflag:s4], $0x10000  }
0x1b: {  	[sflag:s4] =	ssyncset.done $0x0  }
0x1c: {  	s20 =	rddreg [dreg:$0x6];
	[sflag:s4] =	ssyncadd.s32 $0xFFFF0000  }
0x1d: {  	[tilespmem:s3], [sflag:$0x2] =	stream.linear.gather [hbm4b:s20+s3], $0x200, $0x38;
	[tilespmem:$0x10200] =	vst v63  }
0x1e: {  	_ =	swait.ge [sflag:s4], $0x200  }
0x1f: {  	[sflag:s4] =	ssyncset.done $0x0  }
0x20: {  	[sflag:s4] =	ssyncadd.s32 $0xFFFFFE00  }
0x21: {  	[tilespmem:s5], [sflag:$0x1] =	stream.indirect.gather [hbm4b:s2+s5], $0x80, s3, s5, $0xb8;
	[tilespmem:$0x10200] =	vst v63  }
0x22: {  	_ =	swait.ge [sflag:s6], $0x10000  }
0x23: {  	[sflag:s6] =	ssyncset.done $0x0  }
0x24: {  	s21 =	rddreg [dreg:$0x7];
	[sflag:s6] =	ssyncadd.s32 $0xFFFF0000  }
0x25: {  	[hbm4b:s21+s3] =	stream.linear.scatter [tilespmem:s5], [sflag:$0x2], $0x10000, $0x38;
	[tilespmem:$0x10200] =	vst v63  }
0x26: {  	_ =	swait.ge [sflag:s4], $0x10000  }
0x27: {  	[sflag:s4] =	ssyncset.done $0x0  }
0x28: {  	s22 =	rddreg [dreg:$0x8];
	[sflag:s4] =	ssyncadd.s32 $0xFFFF0000  }
0x29: {  	[tilespmem:s3], [sflag:$0x2] =	stream.linear.gather [hbm4b:s22+s3], $0x200, $0x38;
	[tilespmem:$0x10200] =	vst v63  }
0x2a: {  	_ =	swait.ge [sflag:s4], $0x200  }
0x2b: {  	[sflag:s4] =	ssyncset.done $0x0  }
0x2c: {  	[sflag:s4] =	ssyncadd.s32 $0xFFFFFE00  }
0x2d: {  	[tilespmem:s5], [sflag:$0x1] =	stream.indirect.gather [hbm4b:s2+s5], $0x80, s3, s5, $0xb8;
	[tilespmem:$0x10200] =	vst v63  }
0x2e: {  	_ =	swait.ge [sflag:s6], $0x10000  }
0x2f: {  	[sflag:s6] =	ssyncset.done $0x0  }
0x30: {  	s23 =	rddreg [dreg:$0x9];
	[sflag:s6] =	ssyncadd.s32 $0xFFFF0000  }
0x31: {  	[hbm4b:s23+s3] =	stream.linear.scatter [tilespmem:s5], [sflag:$0x2], $0x10000, $0x38;
	[tilespmem:$0x10200] =	vst v63  }
0x32: {  	_ =	swait.ge [sflag:s4], $0x10000  }
0x33: {  	[sflag:s4] =	ssyncset.done $0x0  }
0x34: {  	s24 =	rddreg [dreg:$0xa];
	[sflag:s4] =	ssyncadd.s32 $0xFFFF0000  }
0x35: {  	[tilespmem:s3], [sflag:$0x2] =	stream.linear.gather [hbm4b:s24+s3], $0x200, $0x38;
	[tilespmem:$0x10200] =	vst v63  }
0x36: {  	_ =	swait.ge [sflag:s4], $0x200  }
0x37: {  	[sflag:s4] =	ssyncset.done $0x0  }
0x38: {  	[sflag:s4] =	ssyncadd.s32 $0xFFFFFE00  }
0x39: {  	[tilespmem:s5], [sflag:$0x1] =	stream.indirect.gather [hbm4b:s2+s5], $0x80, s3, s5, $0xb8;
	[tilespmem:$0x10200] =	vst v63  }
0x3a: {  	_ =	swait.ge [sflag:s6], $0x10000  }
0x3b: {  	[sflag:s6] =	ssyncset.done $0x0  }
0x3c: {  	s25 =	rddreg [dreg:$0xb];
	[sflag:s6] =	ssyncadd.s32 $0xFFFF0000  }
0x3d: {  	[hbm4b:s25+s3] =	stream.linear.scatter [tilespmem:s5], [sflag:$0x2], $0x10000, $0x38;
	[tilespmem:$0x10200] =	vst v63  }
0x3e: {  	s8 =	sor.u32 $0x800, s30;
	_ =	swait.ge [sflag:s4], $0x10000  }
0x3f: {  	s26 =	sshrl.u32 s8, $0x3;
	[sflag:s4] =	ssyncset.done $0x0  }
0x40: {  	s7 =	sadd.s32 s31, s26;
	[sflag:s4] =	ssyncadd.s32 $0xFFFF0000  }
0x41: {  	[tilespmem:s3], [sflag:$0x2] =	stream.linear.gather [hbm4b:s7+s3], $0x200, $0x38;
	[tilespmem:$0x10200] =	vst v63  }
0x42: {  	_ =	swait.ge [sflag:s4], $0x200  }
0x43: {  	[sflag:s4] =	ssyncset.done $0x0  }
0x44: {  	[sflag:s4] =	ssyncadd.s32 $0xFFFFFE00  }
0x45: {  	[tilespmem:s5], [sflag:$0x1] =	stream.indirect.gather [hbm4b:s2+s5], $0x80, s3, s5, $0xb8;
	[tilespmem:$0x10200] =	vst v63  }
0x46: {  	_ =	swait.ge [sflag:s6], $0x10000  }
0x47: {  	s8 =	sshll.u32 s8, $0x4;
	[sflag:s6] =	ssyncset.done $0x0  }
0x48: {  	s8 =	sadd.s32 s0, s8;
	[sflag:s6] =	ssyncadd.s32 $0xFFFF0000  }
0x49: {  	[hbm4b:s8+s3] =	stream.linear.scatter [tilespmem:s5], [sflag:$0x2], $0x10000, $0x38;
	[tilespmem:$0x10200] =	vst v63  }
0x4a: {  	s10 =	sor.u32 $0xA00, s30;
	_ =	swait.ge [sflag:s4], $0x10000  }
0x4b: {  	s9 =	sshrl.u32 s10, $0x3;
	[sflag:s4] =	ssyncset.done $0x0  }
0x4c: {  	s9 =	sadd.s32 s31, s9;
	[sflag:s4] =	ssyncadd.s32 $0xFFFF0000  }
0x4d: {  	[tilespmem:s3], [sflag:$0x2] =	stream.linear.gather [hbm4b:s9+s3], $0x200, $0x38;
	[tilespmem:$0x10200] =	vst v63  }
0x4e: {  	_ =	swait.ge [sflag:s4], $0x200  }
0x4f: {  	[sflag:s4] =	ssyncset.done $0x0  }
0x50: {  	[sflag:s4] =	ssyncadd.s32 $0xFFFFFE00  }
0x51: {  	[tilespmem:s5], [sflag:$0x1] =	stream.indirect.gather [hbm4b:s2+s5], $0x80, s3, s5, $0xb8;
	[tilespmem:$0x10200] =	vst v63  }
0x52: {  	_ =	swait.ge [sflag:s6], $0x10000  }
0x53: {  	s10 =	sshll.u32 s10, $0x4;
	[sflag:s6] =	ssyncset.done $0x0  }
0x54: {  	s10 =	sadd.s32 s0, s10;
	[sflag:s6] =	ssyncadd.s32 $0xFFFF0000  }
0x55: {  	[hbm4b:s10+s3] =	stream.linear.scatter [tilespmem:s5], [sflag:$0x2], $0x10000, $0x38;
	[tilespmem:$0x10200] =	vst v63  }
0x56: {  	s12 =	sor.u32 $0xC00, s30;
	_ =	swait.ge [sflag:s4], $0x10000  }
0x57: {  	s11 =	sshrl.u32 s12, $0x3;
	[sflag:s4] =	ssyncset.done $0x0  }
0x58: {  	s11 =	sadd.s32 s31, s11;
	[sflag:s4] =	ssyncadd.s32 $0xFFFF0000  }
0x59: {  	[tilespmem:s3], [sflag:$0x2] =	stream.linear.gather [hbm4b:s11+s3], $0x200, $0x38;
	[tilespmem:$0x10200] =	vst v63  }
0x5a: {  	_ =	swait.ge [sflag:s4], $0x200  }
0x5b: {  	[sflag:s4] =	ssyncset.done $0x0  }
0x5c: {  	[sflag:s4] =	ssyncadd.s32 $0xFFFFFE00  }
0x5d: {  	[tilespmem:s5], [sflag:$0x1] =	stream.indirect.gather [hbm4b:s2+s5], $0x80, s3, s5, $0xb8;
	[tilespmem:$0x10200] =	vst v63  }
0x5e: {  	_ =	swait.ge [sflag:s6], $0x10000  }
0x5f: {  	s12 =	sshll.u32 s12, $0x4;
	[sflag:s6] =	ssyncset.done $0x0  }
0x60: {  	s12 =	sadd.s32 s0, s12;
	[sflag:s6] =	ssyncadd.s32 $0xFFFF0000  }
0x61: {  	[hbm4b:s12+s3] =	stream.linear.scatter [tilespmem:s5], [sflag:$0x2], $0x10000, $0x38;
	[tilespmem:$0x10200] =	vst v63  }
0x62: {  	s14 =	sor.u32 $0xE00, s30;
	_ =	swait.ge [sflag:s4], $0x10000  }
0x63: {  	s13 =	sshrl.u32 s14, $0x3;
	[sflag:s4] =	ssyncset.done $0x0  }
0x64: {  	s13 =	sadd.s32 s31, s13;
	[sflag:s4] =	ssyncadd.s32 $0xFFFF0000  }
0x65: {  	[tilespmem:s3], [sflag:$0x2] =	stream.linear.gather [hbm4b:s13+s3], $0x200, $0x38;
	[tilespmem:$0x10200] =	vst v63  }
0x66: {  	_ =	swait.ge [sflag:s4], $0x200  }
0x67: {  	[sflag:s4] =	ssyncset.done $0x0  }
0x68: {  	[sflag:s4] =	ssyncadd.s32 $0xFFFFFE00  }
0x69: {  	[tilespmem:s5], [sflag:$0x1] =	stream.indirect.gather [hbm4b:s2+s5], $0x80, s3, s5, $0xb8;
	[tilespmem:$0x10200] =	vst v63  }
0x6a: {  	_ =	swait.ge [sflag:s6], $0x10000  }
0x6b: {  	s14 =	sshll.u32 s14, $0x4;
	[sflag:s6] =	ssyncset.done $0x0  }
0x6c: {  	s14 =	sadd.s32 s0, s14;
	[sflag:s6] =	ssyncadd.s32 $0xFFFF0000  }
0x6d: {  	[hbm4b:s14+s3] =	stream.linear.scatter [tilespmem:s5], [sflag:$0x2], $0x10000, $0x38;
	[tilespmem:$0x10200] =	vst v63  }
0x6e: {  	s16 =	sor.u32 $0x1000, s30;
	_ =	swait.ge [sflag:s4], $0x10000  }
0x6f: {  	s15 =	sshrl.u32 s16, $0x3;
	[sflag:s4] =	ssyncset.done $0x0  }
0x70: {  	s15 =	sadd.s32 s31, s15;
	[sflag:s4] =	ssyncadd.s32 $0xFFFF0000  }
0x71: {  	[tilespmem:s3], [sflag:$0x2] =	stream.linear.gather [hbm4b:s15+s3], $0x200, $0x38;
	[tilespmem:$0x10200] =	vst v63  }
0x72: {  	_ =	swait.ge [sflag:s4], $0x200  }
0x73: {  	[sflag:s4] =	ssyncset.done $0x0  }
0x74: {  	[sflag:s4] =	ssyncadd.s32 $0xFFFFFE00  }
0x75: {  	[tilespmem:s5], [sflag:$0x1] =	stream.indirect.gather [hbm4b:s2+s5], $0x80, s3, s5, $0xb8;
	[tilespmem:$0x10200] =	vst v63  }
0x76: {  	_ =	swait.ge [sflag:s6], $0x10000  }
0x77: {  	s16 =	sshll.u32 s16, $0x4;
	[sflag:s6] =	ssyncset.done $0x0  }
0x78: {  	s16 =	sadd.s32 s0, s16;
	[sflag:s6] =	ssyncadd.s32 $0xFFFF0000  }
0x79: {  	[hbm4b:s16+s3] =	stream.linear.scatter [tilespmem:s5], [sflag:$0x2], $0x10000, $0x38;
	[tilespmem:$0x10200] =	vst v63  }
0x7a: {  	s18 =	sor.u32 $0x1200, s30;
	_ =	swait.ge [sflag:s4], $0x10000  }
0x7b: {  	s17 =	sshrl.u32 s18, $0x3;
	[sflag:s4] =	ssyncset.done $0x0  }
0x7c: {  	s17 =	sadd.s32 s31, s17;
	[sflag:s4] =	ssyncadd.s32 $0xFFFF0000  }
0x7d: {  	[tilespmem:s3], [sflag:$0x2] =	stream.linear.gather [hbm4b:s17+s3], $0x200, $0x38;
	[tilespmem:$0x10200] =	vst v63  }
0x7e: {  	_ =	swait.ge [sflag:s4], $0x200  }
0x7f: {  	[sflag:s4] =	ssyncset.done $0x0  }
0x80: {  	[sflag:s4] =	ssyncadd.s32 $0xFFFFFE00  }
0x81: {  	[tilespmem:s5], [sflag:$0x1] =	stream.indirect.gather [hbm4b:s2+s5], $0x80, s3, s5, $0xb8;
	[tilespmem:$0x10200] =	vst v63  }
0x82: {  	_ =	swait.ge [sflag:s6], $0x10000  }
0x83: {  	s18 =	sshll.u32 s18, $0x4;
	[sflag:s6] =	ssyncset.done $0x0  }
0x84: {  	s18 =	sadd.s32 s0, s18;
	[sflag:s6] =	ssyncadd.s32 $0xFFFF0000  }
0x85: {  	[hbm4b:s18+s3] =	stream.linear.scatter [tilespmem:s5], [sflag:$0x2], $0x10000, $0x38;
	[tilespmem:$0x10200] =	vst v63  }
0x86: {  	s20 =	sor.u32 $0x1400, s30;
	_ =	swait.ge [sflag:s4], $0x10000  }
0x87: {  	s19 =	sshrl.u32 s20, $0x3;
	[sflag:s4] =	ssyncset.done $0x0  }
0x88: {  	s19 =	sadd.s32 s31, s19;
	[sflag:s4] =	ssyncadd.s32 $0xFFFF0000  }
0x89: {  	[tilespmem:s3], [sflag:$0x2] =	stream.linear.gather [hbm4b:s19+s3], $0x200, $0x38;
	[tilespmem:$0x10200] =	vst v63  }
0x8a: {  	_ =	swait.ge [sflag:s4], $0x200  }
0x8b: {  	[sflag:s4] =	ssyncset.done $0x0  }
0x8c: {  	[sflag:s4] =	ssyncadd.s32 $0xFFFFFE00  }
0x8d: {  	[tilespmem:s5], [sflag:$0x1] =	stream.indirect.gather [hbm4b:s2+s5], $0x80, s3, s5, $0xb8;
	[tilespmem:$0x10200] =	vst v63  }
0x8e: {  	_ =	swait.ge [sflag:s6], $0x10000  }
0x8f: {  	s20 =	sshll.u32 s20, $0x4;
	[sflag:s6] =	ssyncset.done $0x0  }
0x90: {  	s20 =	sadd.s32 s0, s20;
	[sflag:s6] =	ssyncadd.s32 $0xFFFF0000  }
0x91: {  	[hbm4b:s20+s3] =	stream.linear.scatter [tilespmem:s5], [sflag:$0x2], $0x10000, $0x38;
	[tilespmem:$0x10200] =	vst v63  }
0x92: {  	s22 =	sor.u32 $0x1600, s30;
	_ =	swait.ge [sflag:s4], $0x10000  }
0x93: {  	s21 =	sshrl.u32 s22, $0x3;
	[sflag:s4] =	ssyncset.done $0x0  }
0x94: {  	s21 =	sadd.s32 s31, s21;
	[sflag:s4] =	ssyncadd.s32 $0xFFFF0000  }
0x95: {  	[tilespmem:s3], [sflag:$0x2] =	stream.linear.gather [hbm4b:s21+s3], $0x200, $0x38;
	[tilespmem:$0x10200] =	vst v63  }
0x96: {  	_ =	swait.ge [sflag:s4], $0x200  }
0x97: {  	[sflag:s4] =	ssyncset.done $0x0  }
0x98: {  	[sflag:s4] =	ssyncadd.s32 $0xFFFFFE00  }
0x99: {  	[tilespmem:s5], [sflag:$0x1] =	stream.indirect.gather [hbm4b:s2+s5], $0x80, s3, s5, $0xb8;
	[tilespmem:$0x10200] =	vst v63  }
0x9a: {  	_ =	swait.ge [sflag:s6], $0x10000  }
0x9b: {  	s22 =	sshll.u32 s22, $0x4;
	[sflag:s6] =	ssyncset.done $0x0  }
0x9c: {  	s22 =	sadd.s32 s0, s22;
	[sflag:s6] =	ssyncadd.s32 $0xFFFF0000  }
0x9d: {  	[hbm4b:s22+s3] =	stream.linear.scatter [tilespmem:s5], [sflag:$0x2], $0x10000, $0x38;
	[tilespmem:$0x10200] =	vst v63  }
0x9e: {  	s24 =	sor.u32 $0x1800, s30;
	_ =	swait.ge [sflag:s4], $0x10000  }
0x9f: {  	s23 =	sshrl.u32 s24, $0x3;
	[sflag:s4] =	ssyncset.done $0x0  }
0xa0: {  	s23 =	sadd.s32 s31, s23;
	[sflag:s4] =	ssyncadd.s32 $0xFFFF0000  }
0xa1: {  	[tilespmem:s3], [sflag:$0x2] =	stream.linear.gather [hbm4b:s23+s3], $0x200, $0x38;
	[tilespmem:$0x10200] =	vst v63  }
0xa2: {  	_ =	swait.ge [sflag:s4], $0x200  }
0xa3: {  	[sflag:s4] =	ssyncset.done $0x0  }
0xa4: {  	[sflag:s4] =	ssyncadd.s32 $0xFFFFFE00  }
0xa5: {  	[tilespmem:s5], [sflag:$0x1] =	stream.indirect.gather [hbm4b:s2+s5], $0x80, s3, s5, $0xb8;
	[tilespmem:$0x10200] =	vst v63  }
0xa6: {  	_ =	swait.ge [sflag:s6], $0x10000  }
0xa7: {  	s24 =	sshll.u32 s24, $0x4;
	[sflag:s6] =	ssyncset.done $0x0  }
0xa8: {  	s24 =	sadd.s32 s0, s24;
	[sflag:s6] =	ssyncadd.s32 $0xFFFF0000  }
0xa9: {  	[hbm4b:s24+s3] =	stream.linear.scatter [tilespmem:s5], [sflag:$0x2], $0x10000, $0x38;
	[tilespmem:$0x10200] =	vst v63  }
0xaa: {  	s26 =	sor.u32 $0x1A00, s30;
	_ =	swait.ge [sflag:s4], $0x10000  }
0xab: {  	s25 =	sshrl.u32 s26, $0x3;
	[sflag:s4] =	ssyncset.done $0x0  }
0xac: {  	s25 =	sadd.s32 s31, s25;
	[sflag:s4] =	ssyncadd.s32 $0xFFFF0000  }
0xad: {  	[tilespmem:s3], [sflag:$0x2] =	stream.linear.gather [hbm4b:s25+s3], $0x200, $0x38;
	[tilespmem:$0x10200] =	vst v63  }
0xae: {  	_ =	swait.ge [sflag:s4], $0x200  }
0xaf: {  	[sflag:s4] =	ssyncset.done $0x0  }
0xb0: {  	[sflag:s4] =	ssyncadd.s32 $0xFFFFFE00  }
0xb1: {  	[tilespmem:s5], [sflag:$0x1] =	stream.indirect.gather [hbm4b:s2+s5], $0x80, s3, s5, $0xb8;
	[tilespmem:$0x10200] =	vst v63  }
0xb2: {  	_ =	swait.ge [sflag:s6], $0x10000  }
0xb3: {  	s26 =	sshll.u32 s26, $0x4;
	[sflag:s6] =	ssyncset.done $0x0  }
0xb4: {  	s26 =	sadd.s32 s0, s26;
	[dreg:$0xc] =	wrdreg s0;
	[sflag:s6] =	ssyncadd.s32 $0xFFFF0000  }
0xb5: {  	[hbm4b:s26+s3] =	stream.linear.scatter [tilespmem:s5], [sflag:$0x2], $0x10000, $0x38;
	[tilespmem:$0x10200] =	vst v63  }
0xb6: {  	s29 =	sor.u32 $0x1C00, s30;
	_ =	swait.ge [sflag:s4], $0x10000  }
0xb7: {  	s28 =	sshrl.u32 s29, $0x3;
	[sflag:s4] =	ssyncset.done $0x0  }
0xb8: {  	s28 =	sadd.s32 s31, s28;
	[sflag:s4] =	ssyncadd.s32 $0xFFFF0000  }
0xb9: {  	[tilespmem:s3], [sflag:$0x2] =	stream.linear.gather [hbm4b:s28+s3], $0x200, $0x38;
	[tilespmem:$0x10200] =	vst v63  }
0xba: {  	_ =	swait.ge [sflag:s4], $0x200  }
0xbb: {  	[sflag:s4] =	ssyncset.done $0x0  }
0xbc: {  	[sflag:s4] =	ssyncadd.s32 $0xFFFFFE00  }
0xbd: {  	[tilespmem:s5], [sflag:$0x1] =	stream.indirect.gather [hbm4b:s2+s5], $0x80, s3, s5, $0xb8;
	[tilespmem:$0x10200] =	vst v63  }
0xbe: {  	_ =	swait.ge [sflag:s6], $0x10000  }
0xbf: {  	s29 =	sshll.u32 s29, $0x4;
	[sflag:s6] =	ssyncset.done $0x0  }
0xc0: {  	s29 =	sadd.s32 s0, s29;
	[sflag:s6] =	ssyncadd.s32 $0xFFFF0000  }
0xc1: {  	[hbm4b:s29+s3] =	stream.linear.scatter [tilespmem:s5], [sflag:$0x2], $0x10000, $0x38;
	[tilespmem:$0x10200] =	vst v63  }
0xc2: {  	s0 =	sor.u32 $0x1E00, s30;
	_ =	swait.ge [sflag:s4], $0x10000  }
0xc3: {  	s1 =	ssub.s32 $0x2, s1;
	s30 =	sshrl.u32 s0, $0x3;
	[sflag:s4] =	ssyncset.done $0x0  }
0xc4: {  	s30 =	sadd.s32 s31, s30;
	s31 =	sshrl.u32 s1, $0x1;
	[sflag:s4] =	ssyncadd.s32 $0xFFFF0000  }
0xc5: {  	[tilespmem:s3], [sflag:$0x2] =	stream.linear.gather [hbm4b:s30+s3], $0x200, $0x38;
	[tilespmem:$0x10200] =	vst v63  }
0xc6: {  	s1 =	ssub.s32 s1, s31;
	_ =	swait.ge [sflag:s4], $0x200  }
0xc7: {  	s1 =	smax.u32 s1, $0x1;
	[sflag:s4] =	ssyncset.done $0x0  }
0xc8: {  	p0 =	sne.s32 s1, $0x1;
	[sflag:s4] =	ssyncadd.s32 $0xFFFFFE00  }
0xc9: {  	[tilespmem:s5], [sflag:$0x1] =	stream.indirect.gather [hbm4b:s2+s5], $0x80, s3, s5, $0xb8;
	[tilespmem:$0x10200] =	vst v63  }
.Ltmp0:
0xca: {  	_ =	swait.ge [sflag:s6], $0x10000;
	(pc) =	sbr.rel @!p0 .LBB2_2-.Ltmp0, $4  }
0xcb: {  	s0 =	sshll.u32 s0, $0x4;
	[sflag:s6] =	ssyncset.done $0x0;
	s31 =	rddreg [dreg:$0xc]  }
0xcc: {  	s31 =	sadd.s32 s31, s0;
	[sflag:s6] =	ssyncadd.s32 $0xFFFF0000  }
0xcd: {  	[hbm4b:s31+s3] =	stream.linear.scatter [tilespmem:s5], [sflag:$0x2], $0x10000, $0x38;
	[tilespmem:$0x10200] =	vst v63  }
0xce: {  	s0 =	sadd.s32 $0xFFFFFFFF, s1;
	_ =	swait.ge [sflag:s4], $0x10000  }
.LBB2_1:
0xcf: {  	[sflag:s4] =	ssyncset.done $0x0  }
0xd0: {  	s1 =	rddreg [dreg:$0x4];
	[sflag:s4] =	ssyncadd.s32 $0xFFFF0000  }
0xd1: {  	[tilespmem:s3], [sflag:$0x2] =	stream.linear.gather [hbm4b:s1+s3], $0x200, $0x38;
	[tilespmem:$0x10200] =	vst v63  }
0xd2: {  	_ =	swait.ge [sflag:s4], $0x200  }
0xd3: {  	[sflag:s4] =	ssyncset.done $0x0  }
0xd4: {  	[sflag:s4] =	ssyncadd.s32 $0xFFFFFE00  }
0xd5: {  	[tilespmem:s5], [sflag:$0x1] =	stream.indirect.gather [hbm4b:s2+s5], $0x80, s3, s5, $0xb8;
	[tilespmem:$0x10200] =	vst v63  }
0xd6: {  	_ =	swait.ge [sflag:s6], $0x10000  }
0xd7: {  	[sflag:s6] =	ssyncset.done $0x0  }
0xd8: {  	s1 =	rddreg [dreg:$0x5];
	[sflag:s6] =	ssyncadd.s32 $0xFFFF0000  }
0xd9: {  	[hbm4b:s1+s3] =	stream.linear.scatter [tilespmem:s5], [sflag:$0x2], $0x10000, $0x38;
	[tilespmem:$0x10200] =	vst v63  }
0xda: {  	_ =	swait.ge [sflag:s4], $0x10000  }
0xdb: {  	[sflag:s4] =	ssyncset.done $0x0  }
0xdc: {  	s1 =	rddreg [dreg:$0x6];
	[sflag:s4] =	ssyncadd.s32 $0xFFFF0000  }
0xdd: {  	[tilespmem:s3], [sflag:$0x2] =	stream.linear.gather [hbm4b:s1+s3], $0x200, $0x38;
	[tilespmem:$0x10200] =	vst v63  }
0xde: {  	_ =	swait.ge [sflag:s4], $0x200  }
0xdf: {  	[sflag:s4] =	ssyncset.done $0x0  }
0xe0: {  	[sflag:s4] =	ssyncadd.s32 $0xFFFFFE00  }
0xe1: {  	[tilespmem:s5], [sflag:$0x1] =	stream.indirect.gather [hbm4b:s2+s5], $0x80, s3, s5, $0xb8;
	[tilespmem:$0x10200] =	vst v63  }
0xe2: {  	_ =	swait.ge [sflag:s6], $0x10000  }
0xe3: {  	[sflag:s6] =	ssyncset.done $0x0  }
0xe4: {  	s1 =	rddreg [dreg:$0x7];
	[sflag:s6] =	ssyncadd.s32 $0xFFFF0000  }
0xe5: {  	[hbm4b:s1+s3] =	stream.linear.scatter [tilespmem:s5], [sflag:$0x2], $0x10000, $0x38;
	[tilespmem:$0x10200] =	vst v63  }
0xe6: {  	_ =	swait.ge [sflag:s4], $0x10000  }
0xe7: {  	[sflag:s4] =	ssyncset.done $0x0  }
0xe8: {  	s1 =	rddreg [dreg:$0x8];
	[sflag:s4] =	ssyncadd.s32 $0xFFFF0000  }
0xe9: {  	[tilespmem:s3], [sflag:$0x2] =	stream.linear.gather [hbm4b:s1+s3], $0x200, $0x38;
	[tilespmem:$0x10200] =	vst v63  }
0xea: {  	_ =	swait.ge [sflag:s4], $0x200  }
0xeb: {  	[sflag:s4] =	ssyncset.done $0x0  }
0xec: {  	[sflag:s4] =	ssyncadd.s32 $0xFFFFFE00  }
0xed: {  	[tilespmem:s5], [sflag:$0x1] =	stream.indirect.gather [hbm4b:s2+s5], $0x80, s3, s5, $0xb8;
	[tilespmem:$0x10200] =	vst v63  }
0xee: {  	_ =	swait.ge [sflag:s6], $0x10000  }
0xef: {  	[sflag:s6] =	ssyncset.done $0x0  }
0xf0: {  	s1 =	rddreg [dreg:$0x9];
	[sflag:s6] =	ssyncadd.s32 $0xFFFF0000  }
0xf1: {  	[hbm4b:s1+s3] =	stream.linear.scatter [tilespmem:s5], [sflag:$0x2], $0x10000, $0x38;
	[tilespmem:$0x10200] =	vst v63  }
0xf2: {  	_ =	swait.ge [sflag:s4], $0x10000  }
0xf3: {  	[sflag:s4] =	ssyncset.done $0x0  }
0xf4: {  	s1 =	rddreg [dreg:$0xa];
	[sflag:s4] =	ssyncadd.s32 $0xFFFF0000  }
0xf5: {  	[tilespmem:s3], [sflag:$0x2] =	stream.linear.gather [hbm4b:s1+s3], $0x200, $0x38;
	[tilespmem:$0x10200] =	vst v63  }
0xf6: {  	_ =	swait.ge [sflag:s4], $0x200  }
0xf7: {  	[sflag:s4] =	ssyncset.done $0x0  }
0xf8: {  	[sflag:s4] =	ssyncadd.s32 $0xFFFFFE00  }
0xf9: {  	[tilespmem:s5], [sflag:$0x1] =	stream.indirect.gather [hbm4b:s2+s5], $0x80, s3, s5, $0xb8;
	[tilespmem:$0x10200] =	vst v63  }
0xfa: {  	_ =	swait.ge [sflag:s6], $0x10000  }
0xfb: {  	[sflag:s6] =	ssyncset.done $0x0  }
0xfc: {  	s1 =	rddreg [dreg:$0xb];
	[sflag:s6] =	ssyncadd.s32 $0xFFFF0000  }
0xfd: {  	[hbm4b:s1+s3] =	stream.linear.scatter [tilespmem:s5], [sflag:$0x2], $0x10000, $0x38;
	[tilespmem:$0x10200] =	vst v63  }
0xfe: {  	_ =	swait.ge [sflag:s4], $0x10000  }
0xff: {  	[sflag:s4] =	ssyncset.done $0x0  }
0x100: {  	[sflag:s4] =	ssyncadd.s32 $0xFFFF0000  }
0x101: {  	[tilespmem:s3], [sflag:$0x2] =	stream.linear.gather [hbm4b:s7+s3], $0x200, $0x38;
	[tilespmem:$0x10200] =	vst v63  }
0x102: {  	_ =	swait.ge [sflag:s4], $0x200  }
0x103: {  	[sflag:s4] =	ssyncset.done $0x0  }
0x104: {  	[sflag:s4] =	ssyncadd.s32 $0xFFFFFE00  }
0x105: {  	[tilespmem:s5], [sflag:$0x1] =	stream.indirect.gather [hbm4b:s2+s5], $0x80, s3, s5, $0xb8;
	[tilespmem:$0x10200] =	vst v63  }
0x106: {  	_ =	swait.ge [sflag:s6], $0x10000  }
0x107: {  	[sflag:s6] =	ssyncset.done $0x0  }
0x108: {  	[sflag:s6] =	ssyncadd.s32 $0xFFFF0000  }
0x109: {  	[hbm4b:s8+s3] =	stream.linear.scatter [tilespmem:s5], [sflag:$0x2], $0x10000, $0x38;
	[tilespmem:$0x10200] =	vst v63  }
0x10a: {  	_ =	swait.ge [sflag:s4], $0x10000  }
0x10b: {  	[sflag:s4] =	ssyncset.done $0x0  }
0x10c: {  	[sflag:s4] =	ssyncadd.s32 $0xFFFF0000  }
0x10d: {  	[tilespmem:s3], [sflag:$0x2] =	stream.linear.gather [hbm4b:s9+s3], $0x200, $0x38;
	[tilespmem:$0x10200] =	vst v63  }
0x10e: {  	_ =	swait.ge [sflag:s4], $0x200  }
0x10f: {  	[sflag:s4] =	ssyncset.done $0x0  }
0x110: {  	[sflag:s4] =	ssyncadd.s32 $0xFFFFFE00  }
0x111: {  	[tilespmem:s5], [sflag:$0x1] =	stream.indirect.gather [hbm4b:s2+s5], $0x80, s3, s5, $0xb8;
	[tilespmem:$0x10200] =	vst v63  }
0x112: {  	_ =	swait.ge [sflag:s6], $0x10000  }
0x113: {  	[sflag:s6] =	ssyncset.done $0x0  }
0x114: {  	[sflag:s6] =	ssyncadd.s32 $0xFFFF0000  }
0x115: {  	[hbm4b:s10+s3] =	stream.linear.scatter [tilespmem:s5], [sflag:$0x2], $0x10000, $0x38;
	[tilespmem:$0x10200] =	vst v63  }
0x116: {  	_ =	swait.ge [sflag:s4], $0x10000  }
0x117: {  	[sflag:s4] =	ssyncset.done $0x0  }
0x118: {  	[sflag:s4] =	ssyncadd.s32 $0xFFFF0000  }
0x119: {  	[tilespmem:s3], [sflag:$0x2] =	stream.linear.gather [hbm4b:s11+s3], $0x200, $0x38;
	[tilespmem:$0x10200] =	vst v63  }
0x11a: {  	_ =	swait.ge [sflag:s4], $0x200  }
0x11b: {  	[sflag:s4] =	ssyncset.done $0x0  }
0x11c: {  	[sflag:s4] =	ssyncadd.s32 $0xFFFFFE00  }
0x11d: {  	[tilespmem:s5], [sflag:$0x1] =	stream.indirect.gather [hbm4b:s2+s5], $0x80, s3, s5, $0xb8;
	[tilespmem:$0x10200] =	vst v63  }
0x11e: {  	_ =	swait.ge [sflag:s6], $0x10000  }
0x11f: {  	[sflag:s6] =	ssyncset.done $0x0  }
0x120: {  	[sflag:s6] =	ssyncadd.s32 $0xFFFF0000  }
0x121: {  	[hbm4b:s12+s3] =	stream.linear.scatter [tilespmem:s5], [sflag:$0x2], $0x10000, $0x38;
	[tilespmem:$0x10200] =	vst v63  }
0x122: {  	_ =	swait.ge [sflag:s4], $0x10000  }
0x123: {  	[sflag:s4] =	ssyncset.done $0x0  }
0x124: {  	[sflag:s4] =	ssyncadd.s32 $0xFFFF0000  }
0x125: {  	[tilespmem:s3], [sflag:$0x2] =	stream.linear.gather [hbm4b:s13+s3], $0x200, $0x38;
	[tilespmem:$0x10200] =	vst v63  }
0x126: {  	_ =	swait.ge [sflag:s4], $0x200  }
0x127: {  	[sflag:s4] =	ssyncset.done $0x0  }
0x128: {  	[sflag:s4] =	ssyncadd.s32 $0xFFFFFE00  }
0x129: {  	[tilespmem:s5], [sflag:$0x1] =	stream.indirect.gather [hbm4b:s2+s5], $0x80, s3, s5, $0xb8;
	[tilespmem:$0x10200] =	vst v63  }
0x12a: {  	_ =	swait.ge [sflag:s6], $0x10000  }
0x12b: {  	[sflag:s6] =	ssyncset.done $0x0  }
0x12c: {  	[sflag:s6] =	ssyncadd.s32 $0xFFFF0000  }
0x12d: {  	[hbm4b:s14+s3] =	stream.linear.scatter [tilespmem:s5], [sflag:$0x2], $0x10000, $0x38;
	[tilespmem:$0x10200] =	vst v63  }
0x12e: {  	_ =	swait.ge [sflag:s4], $0x10000  }
0x12f: {  	[sflag:s4] =	ssyncset.done $0x0  }
0x130: {  	[sflag:s4] =	ssyncadd.s32 $0xFFFF0000  }
0x131: {  	[tilespmem:s3], [sflag:$0x2] =	stream.linear.gather [hbm4b:s15+s3], $0x200, $0x38;
	[tilespmem:$0x10200] =	vst v63  }
0x132: {  	_ =	swait.ge [sflag:s4], $0x200  }
0x133: {  	[sflag:s4] =	ssyncset.done $0x0  }
0x134: {  	[sflag:s4] =	ssyncadd.s32 $0xFFFFFE00  }
0x135: {  	[tilespmem:s5], [sflag:$0x1] =	stream.indirect.gather [hbm4b:s2+s5], $0x80, s3, s5, $0xb8;
	[tilespmem:$0x10200] =	vst v63  }
0x136: {  	_ =	swait.ge [sflag:s6], $0x10000  }
0x137: {  	[sflag:s6] =	ssyncset.done $0x0  }
0x138: {  	[sflag:s6] =	ssyncadd.s32 $0xFFFF0000  }
0x139: {  	[hbm4b:s16+s3] =	stream.linear.scatter [tilespmem:s5], [sflag:$0x2], $0x10000, $0x38;
	[tilespmem:$0x10200] =	vst v63  }
0x13a: {  	_ =	swait.ge [sflag:s4], $0x10000  }
0x13b: {  	[sflag:s4] =	ssyncset.done $0x0  }
0x13c: {  	[sflag:s4] =	ssyncadd.s32 $0xFFFF0000  }
0x13d: {  	[tilespmem:s3], [sflag:$0x2] =	stream.linear.gather [hbm4b:s17+s3], $0x200, $0x38;
	[tilespmem:$0x10200] =	vst v63  }
0x13e: {  	_ =	swait.ge [sflag:s4], $0x200  }
0x13f: {  	[sflag:s4] =	ssyncset.done $0x0  }
0x140: {  	[sflag:s4] =	ssyncadd.s32 $0xFFFFFE00  }
0x141: {  	[tilespmem:s5], [sflag:$0x1] =	stream.indirect.gather [hbm4b:s2+s5], $0x80, s3, s5, $0xb8;
	[tilespmem:$0x10200] =	vst v63  }
0x142: {  	_ =	swait.ge [sflag:s6], $0x10000  }
0x143: {  	[sflag:s6] =	ssyncset.done $0x0  }
0x144: {  	[sflag:s6] =	ssyncadd.s32 $0xFFFF0000  }
0x145: {  	[hbm4b:s18+s3] =	stream.linear.scatter [tilespmem:s5], [sflag:$0x2], $0x10000, $0x38;
	[tilespmem:$0x10200] =	vst v63  }
0x146: {  	_ =	swait.ge [sflag:s4], $0x10000  }
0x147: {  	[sflag:s4] =	ssyncset.done $0x0  }
0x148: {  	[sflag:s4] =	ssyncadd.s32 $0xFFFF0000  }
0x149: {  	[tilespmem:s3], [sflag:$0x2] =	stream.linear.gather [hbm4b:s19+s3], $0x200, $0x38;
	[tilespmem:$0x10200] =	vst v63  }
0x14a: {  	_ =	swait.ge [sflag:s4], $0x200  }
0x14b: {  	[sflag:s4] =	ssyncset.done $0x0  }
0x14c: {  	[sflag:s4] =	ssyncadd.s32 $0xFFFFFE00  }
0x14d: {  	[tilespmem:s5], [sflag:$0x1] =	stream.indirect.gather [hbm4b:s2+s5], $0x80, s3, s5, $0xb8;
	[tilespmem:$0x10200] =	vst v63  }
0x14e: {  	_ =	swait.ge [sflag:s6], $0x10000  }
0x14f: {  	[sflag:s6] =	ssyncset.done $0x0  }
0x150: {  	[sflag:s6] =	ssyncadd.s32 $0xFFFF0000  }
0x151: {  	[hbm4b:s20+s3] =	stream.linear.scatter [tilespmem:s5], [sflag:$0x2], $0x10000, $0x38;
	[tilespmem:$0x10200] =	vst v63  }
0x152: {  	_ =	swait.ge [sflag:s4], $0x10000  }
0x153: {  	[sflag:s4] =	ssyncset.done $0x0  }
0x154: {  	[sflag:s4] =	ssyncadd.s32 $0xFFFF0000  }
0x155: {  	[tilespmem:s3], [sflag:$0x2] =	stream.linear.gather [hbm4b:s21+s3], $0x200, $0x38;
	[tilespmem:$0x10200] =	vst v63  }
0x156: {  	_ =	swait.ge [sflag:s4], $0x200  }
0x157: {  	[sflag:s4] =	ssyncset.done $0x0  }
0x158: {  	[sflag:s4] =	ssyncadd.s32 $0xFFFFFE00  }
0x159: {  	[tilespmem:s5], [sflag:$0x1] =	stream.indirect.gather [hbm4b:s2+s5], $0x80, s3, s5, $0xb8;
	[tilespmem:$0x10200] =	vst v63  }
0x15a: {  	_ =	swait.ge [sflag:s6], $0x10000  }
0x15b: {  	[sflag:s6] =	ssyncset.done $0x0  }
0x15c: {  	[sflag:s6] =	ssyncadd.s32 $0xFFFF0000  }
0x15d: {  	[hbm4b:s22+s3] =	stream.linear.scatter [tilespmem:s5], [sflag:$0x2], $0x10000, $0x38;
	[tilespmem:$0x10200] =	vst v63  }
0x15e: {  	_ =	swait.ge [sflag:s4], $0x10000  }
0x15f: {  	[sflag:s4] =	ssyncset.done $0x0  }
0x160: {  	[sflag:s4] =	ssyncadd.s32 $0xFFFF0000  }
0x161: {  	[tilespmem:s3], [sflag:$0x2] =	stream.linear.gather [hbm4b:s23+s3], $0x200, $0x38;
	[tilespmem:$0x10200] =	vst v63  }
0x162: {  	_ =	swait.ge [sflag:s4], $0x200  }
0x163: {  	[sflag:s4] =	ssyncset.done $0x0  }
0x164: {  	[sflag:s4] =	ssyncadd.s32 $0xFFFFFE00  }
0x165: {  	[tilespmem:s5], [sflag:$0x1] =	stream.indirect.gather [hbm4b:s2+s5], $0x80, s3, s5, $0xb8;
	[tilespmem:$0x10200] =	vst v63  }
0x166: {  	_ =	swait.ge [sflag:s6], $0x10000  }
0x167: {  	[sflag:s6] =	ssyncset.done $0x0  }
0x168: {  	[sflag:s6] =	ssyncadd.s32 $0xFFFF0000  }
0x169: {  	[hbm4b:s24+s3] =	stream.linear.scatter [tilespmem:s5], [sflag:$0x2], $0x10000, $0x38;
	[tilespmem:$0x10200] =	vst v63  }
0x16a: {  	_ =	swait.ge [sflag:s4], $0x10000  }
0x16b: {  	[sflag:s4] =	ssyncset.done $0x0  }
0x16c: {  	[sflag:s4] =	ssyncadd.s32 $0xFFFF0000  }
0x16d: {  	[tilespmem:s3], [sflag:$0x2] =	stream.linear.gather [hbm4b:s25+s3], $0x200, $0x38;
	[tilespmem:$0x10200] =	vst v63  }
0x16e: {  	_ =	swait.ge [sflag:s4], $0x200  }
0x16f: {  	[sflag:s4] =	ssyncset.done $0x0  }
0x170: {  	[sflag:s4] =	ssyncadd.s32 $0xFFFFFE00  }
0x171: {  	[tilespmem:s5], [sflag:$0x1] =	stream.indirect.gather [hbm4b:s2+s5], $0x80, s3, s5, $0xb8;
	[tilespmem:$0x10200] =	vst v63  }
0x172: {  	_ =	swait.ge [sflag:s6], $0x10000  }
0x173: {  	[sflag:s6] =	ssyncset.done $0x0  }
0x174: {  	[sflag:s6] =	ssyncadd.s32 $0xFFFF0000  }
0x175: {  	[hbm4b:s26+s3] =	stream.linear.scatter [tilespmem:s5], [sflag:$0x2], $0x10000, $0x38;
	[tilespmem:$0x10200] =	vst v63  }
0x176: {  	_ =	swait.ge [sflag:s4], $0x10000  }
0x177: {  	[sflag:s4] =	ssyncset.done $0x0  }
0x178: {  	[sflag:s4] =	ssyncadd.s32 $0xFFFF0000  }
0x179: {  	[tilespmem:s3], [sflag:$0x2] =	stream.linear.gather [hbm4b:s28+s3], $0x200, $0x38;
	[tilespmem:$0x10200] =	vst v63  }
0x17a: {  	_ =	swait.ge [sflag:s4], $0x200  }
0x17b: {  	[sflag:s4] =	ssyncset.done $0x0  }
0x17c: {  	[sflag:s4] =	ssyncadd.s32 $0xFFFFFE00  }
0x17d: {  	[tilespmem:s5], [sflag:$0x1] =	stream.indirect.gather [hbm4b:s2+s5], $0x80, s3, s5, $0xb8;
	[tilespmem:$0x10200] =	vst v63  }
0x17e: {  	_ =	swait.ge [sflag:s6], $0x10000  }
0x17f: {  	[sflag:s6] =	ssyncset.done $0x0  }
0x180: {  	[sflag:s6] =	ssyncadd.s32 $0xFFFF0000  }
0x181: {  	[hbm4b:s29+s3] =	stream.linear.scatter [tilespmem:s5], [sflag:$0x2], $0x10000, $0x38;
	[tilespmem:$0x10200] =	vst v63  }
0x182: {  	_ =	swait.ge [sflag:s4], $0x10000  }
0x183: {  	[sflag:s4] =	ssyncset.done $0x0  }
0x184: {  	[sflag:s4] =	ssyncadd.s32 $0xFFFF0000  }
0x185: {  	[tilespmem:s3], [sflag:$0x2] =	stream.linear.gather [hbm4b:s30+s3], $0x200, $0x38;
	[tilespmem:$0x10200] =	vst v63  }
0x186: {  	_ =	swait.ge [sflag:s4], $0x200  }
0x187: {  	[sflag:s4] =	ssyncset.done $0x0  }
0x188: {  	p0 =	sne.s32 s0, $0x1;
	[sflag:s4] =	ssyncadd.s32 $0xFFFFFE00  }
0x189: {  	[tilespmem:s5], [sflag:$0x1] =	stream.indirect.gather [hbm4b:s2+s5], $0x80, s3, s5, $0xb8;
	[tilespmem:$0x10200] =	vst v63  }
.Ltmp1:
0x18a: {  	_ =	swait.ge [sflag:s6], $0x10000;
	(pc) =	sbr.rel @p0 .LBB2_1-.Ltmp1, $4  }
0x18b: {  	[sflag:s6] =	ssyncset.done $0x0  }
0x18c: {  	[sflag:s6] =	ssyncadd.s32 $0xFFFF0000  }
0x18d: {  	[hbm4b:s31+s3] =	stream.linear.scatter [tilespmem:s5], [sflag:$0x2], $0x10000, $0x38;
	[tilespmem:$0x10200] =	vst v63  }
0x18e: {  	s0 =	sadd.s32 $0xFFFFFFFF, s0;
	_ =	swait.ge [sflag:s4], $0x10000  }
.LBB2_2:
0x18f: {  	[sflag:s4] =	ssyncset.done $0x0  }
0x190: {  	[sflag:s4] =	ssyncadd.s32 $0xFFFF0000  }
0x191: {  	_ =	sfence.sel $0x180000  }
0x192: {  	[bflag:$0x0] =	sbarrier.arrive $0xFFFF  }
0x193: {  	_ =	strace $0x90000047  }
0x194: {  	s0 =	stileid.u32;
	[bflag:$0x2] =	sbarrier.arrive $0xFFFF  }
0x195: {  	p0 =	sne.s32 s0, $0x0;
	s0 =	rddreg [dreg:$0x3]  }
0x196: {  	s0 =	sadd.s32 @!p0 $0x100000, s0  }
0x197: {  	[sflag:s0] =	ssyncadd.tile.s32 @!p0 $0x1;
	_ =	shalt  }
.Lfunc_end2:
_tile_overlayer_lowered:
.L_overlay_start_2:
0x198: {  	(tag) =	ssettag $0x2  }
0x199: {  	s0 =	rddreg [dreg:$0x0];
	s2 =	stileid.u32  }
0x19a: {  	s1 =	rddreg [dreg:$0x1];
	p0 =	sne.s32 s2, $0x0  }
0x19b: {  	s3 =	rddreg [dreg:$0x2];
	[bflag:$0x3] =	sbarrier.arrive $0xFFFF;
	s2 =	simm.s32 @!p0 $0x1C02  }
0x19c: {  	[timem:s3], [sflag:s2] =	dma.local @!p0 [hbm:s0], s1  }
0x19d: {  	s0 =	simm.s32 @!p0 $0x2  }
0x19e: {  	_ =	swait.ge @!p0 [sflag:s0], s1  }
0x19f: {  	s1 =	ssub.s32 @!p0 $0x0, s1;
	[sflag:s0] =	ssyncset.done @!p0 $0x0  }
0x1a0: {  	[sflag:s0] =	ssyncadd.s32 @!p0 s1  }
0x1a1: {  	[bflag:$0x3] =	sbarrier.arrive $0xFFFF  }
0x1a2: {  	_ =	shalt  }

// kernel: sparse-core-data-format-call.1.cloned.1.call-start
scs
called_computation.1_lowered:
.L_overlay_start_0:
0x0: {  	s2 =	sld [smem:$0x3FD9]  }
0x1: {  	s3 =	sld [smem:$0x3FFE];
	_ =	sdelay $0x1  }
0x2: {  	s1 =	srdreg.scid  }
0x3: {  	s0 =	sand.u32 $0x1, s1  }
0x4: {  	s15 =	sshll.u32 s0, $0xA;
	s2 =	sadd.s32 s3, s2  }
0x5: {  	s2 =	sadd.s32 s2, s15  }
0x6: {  	[smem:$0x3FB8] =	sst s2  }
0x7: {  	_ = 	snop  }
0x8: {  	s2 =	sld [smem:$0x3FD0];
	_ =	sdelay $0x2  }
0x9: {  	s16 =	simm.s32 $0xB;
	s4 =	simm.s32 $0x10  }
0xa: {  	[smem:s4], [sflag:s16] =	dma.local [hbm:s2], $0x1  }
0xb: {  	_ =	swait.eq [sflag:s16], $0x1  }
0xc: {  	[sflag:s16] =	ssyncset.done $0x0  }
0xd: {  	[sflag:s16] =	ssyncadd.s32 $0xFFFFFFFF  }
0xe: {  	s17 =	sld [smem:$0x14];
	(tm) =	ssettm $0x1  }
0xf: {  	s18 =	sld [smem:$0x3FFB];
	_ =	sdelay $0x3  }
0x10: {  	_ =	strace s18  }
0x11: {  	s3 =	sld [smem:$0x3FFC];
	_ =	sdelay $0x3  }
0x12: {  	_ =	strace s3  }
0x13: {  	s3 =	sld [smem:$0x3FFD];
	_ =	sdelay $0x3  }
0x14: {  	_ =	strace s3  }
0x15: {  	_ =	strace $0x8FFFFFFF  }
0x16: {  	s19 =	sld [smem:$0x3FDB];
	_ =	sdelay $0x1  }
0x17: {  	s20 =	simm.s32 $_scs_section_size  }
0x18: {  	s5 =	simm.s32 $_size__tile_overlayer_lowered;
	s6 =	simm.s32 $_tile_overlayer_lowered  }
0x19: {  	s23 =	simm.s32 $0x1BFF;
	s22 =	sshll.u32 s6, $0x1;
	s3 =	sadd.s32 s20, s19  }
0x1a: {  	s7 =	simm.s32 $0x0;
	s21 =	sshll.u32 s5, $0x1;
	s5 =	sadd.s32 s22, s3  }
0x1b: {  	[timem:s7], [sflag:s23] =	dma.local [hbm:s5], s21  }
0x1c: {  	_ =	swait.ge [sflag:s23], s21  }
0x1d: {  	s4 =	ssub.s32 $0x0, s21;
	[sflag:s23] =	ssyncset.done $0x0  }
0x1e: {  	[sflag:s23] =	ssyncadd.s32 s4;
	_ =	sdelay $0x1  }
0x1f: {  	s24 =	simm.s32 $0x1B8B  }
0x20: {  	_ =	swait.ge [sflag:s24], $0x1  }
0x21: {  	[sflag:s24] =	ssyncset.done $0x0  }
0x22: {  	s26 =	simm.s32 $0x1B8E;
	s25 =	sld [smem:$0x3FFE];
	[sflag:s24] =	ssyncadd.s32 $0xFFFFFFFF  }
0x23: {  	s27 =	simm.s32 $execute0_lowered;
	[smem:$0x3FD2] =	sst s26  }
0x24: {  	s5 =	sshll.u32 s27, $0x1;
	_ =	strace $0x80000049;
	[dreg:$0x1] =	wrdreg $0xFFFFFFFF  }
0x25: {  	s28 =	simm.s32 $_size_execute0_lowered;
	s3 =	sadd.s32 s3, s5;
	[dreg:$0x0] =	wrdreg $0x0  }
0x26: {  	s5 =	sshll.u32 s28, $0x1;
	[dreg:$0x2] =	wrdreg s3  }
0x27: {  	[dreg:$0x3] =	wrdreg s5  }
0x28: {  	[dreg:$0x4] =	wrdreg $0xC0  }
0x29: {  	_ =	task [dreg:s7], $0x5FFFF  }
0x2a: {  	[dreg:$0x1] =	wrdreg $0xFFFFFFFF  }
0x2b: {  	[dreg:$0x0] =	wrdreg $0x60  }
0x2c: {  	[dreg:$0x2] =	wrdreg s25  }
0x2d: {  	[dreg:$0x3] =	wrdreg s17  }
0x2e: {  	[dreg:$0x4] =	wrdreg $0xA  }
0x2f: {  	_ =	task.clear_ibuf [dreg:s7], $0x5FFFF;
	_ =	strace $0x90000049  }
0x30: {  	s29 =	simm.s32 $0xA;
	_ =	strace $0x8000004B  }
0x31: {  	_ =	swait.ge [sflag:s29], $0x1  }
0x32: {  	[sflag:s29] =	ssyncadd.s32 $0xFFFFFFFF  }
0x33: {  	_ =	strace $0x9000004B  }
0x34: {  	_ =	sfence  }
0x35: {  	s30 =	sld [smem:$0x0];
	_ =	sdelay $0x2  }
0x36: {  	s31 =	sshll.u32 s1, $0xD;
	s1 =	sshrl.u32 s1, $0x2  }
0x37: {  	s3 =	sand.u32 $0x4000, s31;
	s1 =	sadd.s32 s1, s30  }
0x38: {  	s0 =	sor.u32 s3, s0;
	s1 =	sshll.u32 s1, $0x11  }
0x39: {  	s0 =	sor.u32 s1, s0  }
0x3a: {  	s0 =	sadd.s32 $0x8F2B, s0  }
0x3b: {  	[sflag:s0] =	ssyncadd.remote.s32 $0x1  }
0x3c: {  	_ =	sfence.sel $0xFFFF  }
0x3d: {  	[dreg:$0x0] =	wrdreg $0xFFFFFFFF;
	(pc) =	sbr.abs _section_cstart, $3  }
0x3e: {  	[dreg:$0x1] =	wrdreg $0xFFFFFFFF  }
0x3f: {  	_ =	task.clear_ibuf [dreg:s7], $0x2FFFF;
	_ =	strace $0x9FFFFFFF  }
0x40: {  	(tm) =	ssettm $0x7FFFFFFF  }
0x41: {  	_ =	shalt  }
tec
execute0_lowered:
.L_overlay_start_1:
0x0: {  	(tag) =	ssettag $0x1  }
0x1: {  	s0 =	stileid.u32;
	s4 =	rddreg [dreg:$0x0]  }
0x2: {  	s1 =	srdreg.scid;
	s3 =	rddreg [dreg:$0x1];
	s7 =	simm.s32 $0x1  }
0x3: {  	s31 =	simm.s32 $0x2;
	s2 =	sshll.u32 s0, $0x4;
	s1 =	sshll.u32 s1, $0x8  }
0x4: {  	s15 =	simm.s32 $0x0;
	s9 =	simm.s32 $0x1000;
	s1 =	sor.u32 s2, s1  }
0x5: {  	s14 =	simm.s32 $0x0;
	s16 =	simm.s32 $0x0;
	s2 =	sand.u32 $0x180, s1  }
0x6: {  	s10 =	simm.s32 $0x0;
	s13 =	simm.s32 $0x0;
	s5 =	ssub.s32 $0x200, s2  }
0x7: {  	s4 =	sadd.s32 $0x401200, s4;
	s1 =	rddreg [dreg:$0x2];
	s6 =	sand.u32 $0x180, s5  }
.Ltmp0:
0x8: {  	_ =	strace $0x8000004A;
	p0 =	sne.s32 s6, $0x0;
	(pc) =	sbr.rel .LBB1_1-.Ltmp0, $4  }
0x9: {  	s11 =	smov.u32 s2;
	s8 =	sshrl.u32 s5, $0x9;
	s7 =	simm.s32 @!p0 $0x0  }
0xa: {  	s5 =	sand.u32 $0x7, s0;
	s6 =	simm.s32 $0x1;
	s7 =	sadd.s32 s7, s8  }
0xb: {  	s12 =	smov.u32 s5;
	[sflag:s6] =	ssyncpa.u1 $0x0;
	s7 =	sshll.u32 s7, $0x5  }
0xc: {  	p0 =	por $0x0, $0x0;
	[sflag:s31] =	ssyncpa.u1 $0x0;
	s8 =	sor.u32 $0x1, s7  }
.LBB1_4:
0xd: {  	s16 =	sshll.u32 s16, $0x11  }
0xe: {  	s19 =	sand.u32 $0xF80, s14;
	s15 =	sshll.u32 s15, $0xC;
	s16 =	sadd.s32 s3, s16  }
0xf: {  	[tilespmem:s18+$0x810 ss:$0x81] =	vst.msk $0xffff, v2;
	s20 =	sshrl.u32 s14, $0x3;
	s30 =	sand.u32 $0x7, s14;
	s16 =	sadd.s32 s19, s16  }
0x10: {  	[tilespmem:s18+$0x1020 ss:$0x81] =	vst.msk $0xffff, v0;
	s31 =	sand.u32 $0xF, s20;
	s14 =	sshll.u32 s30, $0x12;
	s15 =	sadd.s32 s15, s16  }
0x11: {  	[tilespmem:s18+$0x0 ss:$0x81] =	vst.msk $0xffff, v1;
	s14 =	sor.u32 $0x400, s14;
	s15 =	sadd.s32 s31, s15  }
0x12: {  	[hbm4b:s15+s14] =	stream.strided.scatter [tilespmem:s17], [sflag:$0x2], $0x2000, s9, s14, $0x20;
	[tilespmem:$0x8080] =	vst v63  }
.LBB1_5:
0x13: {  	s17 =	sadd.s32 $0x1, s10  }
0x14: {  	s14 =	sadd.s32 $0x200, s11;
	s18 =	smov.u32 s11;
	p2 =	sgt.s32 s17, $0x1F  }
0x15: {  	s18 =	smov.u32 @p2 s14  }
0x16: {  	s20 =	smov.u32 s12;
	s14 =	sadd.s32 $0x8, s12;
	p3 =	sgt.s32 s18, $0x1FF  }
0x17: {  	s20 =	smov.u32 @p3 s14  }
0x18: {  	s17 =	simm.s32 @p2 $0x0;
	p2 =	sgt.s32 s20, $0x7  }
0x19: {  	p1 =	slt.u32 s13, $0x2;
	s20 =	smov.u32 @p2 s5;
	p2 =	sne.s32 s13, s8  }
.Ltmp1:
0x1a: {  	s19 =	simm.s32 @!p1 $0x2;
	(pc) =	sbr.rel @!p2 .LBB1_6-.Ltmp1, $4  }
0x1b: {  	s15 =	smov.u32 s10;
	s16 =	smov.u32 s12;
	_ =	swait.ge @!p1 [sflag:s19], $0x2000  }
0x1c: {  	p0 =	por !p0, !p0;
	[sflag:s19] =	ssyncset.done @!p1 $0x0;
	s10 =	smov.u32 s17  }
0x1d: {  	s18 =	smov.u32 @p3 s2;
	s14 =	smov.u32 s11;
	[sflag:s19] =	ssyncadd.s32 @!p1 $0xFFFFE000  }
0x1e: {  	s11 =	smov.u32 s18;
	s13 =	sadd.s32 $0x1, s13;
	s12 =	smov.u32 s20  }
.LBB1_1:
0x1f: {  	p1 =	sge.u32 s13, s7;
	s31 =	sadd.s32 $0xFFFFFFFF, s13  }
0x20: {  	s17 =	sxor.u32 @!p1 $0xFFFFFFFF, s13;
	s18 =	sshll.u32 @!p1 s12, $0x12;
	s19 =	sshll.u32 @!p1 s11, $0x9  }
0x21: {  	s20 =	sshll.u32 @!p1 s10, $0x4;
	s17 =	sshll.u32 @!p1 s17, $0xD;
	s18 =	sadd.s32 @!p1 s4, s18  }
0x22: {  	s20 =	sand.u32 @!p1 $0x1F0, s20;
	s17 =	sand.u32 @!p1 $0x2000, s17;
	s18 =	sadd.s32 @!p1 s19, s18  }
0x23: {  	s19 =	simm.s32 @!p1 $0x40;
	s18 =	sadd.s32 @!p1 s20, s18;
	s20 =	simm.s32 @!p1 $0x1000  }
0x24: {  	[tilespmem:s17], [sflag:$0x1] =	stream.strided.gather @!p1 [hbm4b:s18+s19], $0x2000, s20, s19, $0x38;
	[tilespmem:$0x8080] =	vst v63  }
0x25: {  	p1 =	sge.u32 s31, s7  }
.Ltmp2:
0x26: {  	_ = 	snop;
	(pc) =	sbr.rel @p1 .LBB1_5-.Ltmp2, $1  }
0x27: {  	_ =	sdelay $0x3  }
0x28: {  	s17 =	simm.s32 $0x1  }
0x29: {  	_ =	swait.ge [sflag:s6], $0x2000;
	s17 =	simm.s32 @!p0 $0x0  }
0x2a: {  	[sflag:s6] =	ssyncset.done $0x0;
	s18 =	sshll.u32 s17, $0xD  }
0x2b: {  	[sflag:s6] =	ssyncadd.s32 $0xFFFFE000;
	s21 =	sor.u32 $0x20, s18  }
0x2c: {  	s17 =	smul.u32 $0x8100, s17;
	v3 =	vld [tilespmem:s21+$0x10]  }
0x2d: {  	s30 =	sand.u32 $0x1, s13;
	v2 =	vld [tilespmem:s21+$0xFFFFFFF0]  }
0x2e: {  	s18 =	smul.u32 $0x8100, s30;
	s17 =	sshrl.u32 s17, $0x2;
	v0 =	vld [tilespmem:s21+$0x0]  }
0x2f: {  	v1 =	vld [tilespmem:s21+$0xFFFFFFE0];
	s19 =	sor.u32 $0x4000, s17  }
0x30: {  	s31 =	sshrl.u32 s18, $0x2;
	s18 =	sadd.s32 $0x0, s19  }
0x31: {  	s20 =	simm.s32 $0x4;
	s21 =	sadd.s32 $0x40, s21;
	s17 =	sor.u32 $0x4000, s31;
	[tilespmem:s18+$0x1830 ss:$0x81] =	vst.msk $0xffff, v3  }
.LBB1_3:
0x32: {  	v3 =	vld [tilespmem:s21+$0x10];
	p1 =	sne.s32 s20, $0x1FC;
	[tilespmem:s18+$0x810 ss:$0x81] =	vst.msk $0xffff, v2;
	s22 =	smov.u32 s20;
	s20 =	sadd.s32 $0x4, s20  }
.Ltmp3:
0x33: {  	v2 =	vld [tilespmem:s21+$0xFFFFFFF0];
	[tilespmem:s18+$0x1020 ss:$0x81] =	vst.msk $0xffff, v0;
	(pc) =	sbr.rel @p1 .LBB1_3-.Ltmp3, $4  }
0x34: {  	v0 =	vld [tilespmem:s21+$0x0];
	[tilespmem:s18+$0x0 ss:$0x81] =	vst.msk $0xffff, v1  }
0x35: {  	s18 =	sshra.s32 s22, $0x2;
	v1 =	vld [tilespmem:s21+$0xFFFFFFE0]  }
0x36: {  	s18 =	sadd.s32 s18, s19  }
0x37: {  	s21 =	sadd.s32 $0x40, s21;
	[tilespmem:s18+$0x1830 ss:$0x81] =	vst.msk $0xffff, v3  }
.Ltmp4:
0x38: {  	_ = 	snop;
	(pc) =	sbr.rel .LBB1_4-.Ltmp4, $1  }
0x39: {  	_ =	sdelay $0x3  }
.LBB1_6:
0x3a: {  	_ =	sfence.sel $0x180000  }
0x3b: {  	s2 =	simm.s32 $0x1;
	[bflag:$0x0] =	sbarrier.arrive $0xFFFF  }
0x3c: {  	s31 =	simm.s32 $0x2;
	[sflag:s2] =	ssyncpa.u1 $0x1  }
0x3d: {  	[sflag:s31] =	ssyncpa.u1 $0x1  }
0x3e: {  	p0 =	sne.s32 s0, $0x0;
	_ =	strace $0x9000004A  }
0x3f: {  	s0 =	sadd.s32 @!p0 $0x100000, s1;
	[bflag:$0x2] =	sbarrier.arrive $0xFFFF  }
0x40: {  	[sflag:s0] =	ssyncadd.tile.s32 @!p0 $0x1;
	_ =	shalt  }
.Lfunc_end1:
_tile_overlayer_lowered:
.L_overlay_start_2:
0x41: {  	(tag) =	ssettag $0x2  }
0x42: {  	s0 =	rddreg [dreg:$0x0];
	s2 =	stileid.u32  }
0x43: {  	s1 =	rddreg [dreg:$0x1];
	p0 =	sne.s32 s2, $0x0  }
0x44: {  	s3 =	rddreg [dreg:$0x2];
	[bflag:$0x3] =	sbarrier.arrive $0xFFFF;
	s2 =	simm.s32 @!p0 $0x1C01  }
0x45: {  	[timem:s3], [sflag:s2] =	dma.local @!p0 [hbm:s0], s1  }
0x46: {  	s0 =	simm.s32 @!p0 $0x1  }
0x47: {  	_ =	swait.ge @!p0 [sflag:s0], s1  }
0x48: {  	s1 =	ssub.s32 @!p0 $0x0, s1;
	[sflag:s0] =	ssyncset.done @!p0 $0x0  }
0x49: {  	[sflag:s0] =	ssyncadd.s32 @!p0 s1  }
0x4a: {  	[bflag:$0x3] =	sbarrier.arrive $0xFFFF  }
0x4b: {  	_ =	shalt  }

// kernel: sparse-core-data-format-call.cloned.1.call-start
scs
called_computation_lowered:
.L_overlay_start_0:
0x0: {  	s2 =	sld [smem:$0x3FD9]  }
0x1: {  	s3 =	sld [smem:$0x3FFE];
	_ =	sdelay $0x1  }
0x2: {  	s1 =	srdreg.scid  }
0x3: {  	s0 =	sand.u32 $0x1, s1  }
0x4: {  	s16 =	sshll.u32 s0, $0xA;
	s2 =	sadd.s32 s3, s2  }
0x5: {  	s2 =	sadd.s32 s2, s16  }
0x6: {  	[smem:$0x3FB8] =	sst s2  }
0x7: {  	_ = 	snop  }
0x8: {  	s2 =	sld [smem:$0x3FD0];
	_ =	sdelay $0x2  }
0x9: {  	s17 =	simm.s32 $0xB;
	s4 =	simm.s32 $0x10  }
0xa: {  	[smem:s4], [sflag:s17] =	dma.local [hbm:s2], $0x1  }
0xb: {  	_ =	swait.eq [sflag:s17], $0x1  }
0xc: {  	[sflag:s17] =	ssyncset.done $0x0  }
0xd: {  	[sflag:s17] =	ssyncadd.s32 $0xFFFFFFFF  }
0xe: {  	s18 =	sld [smem:$0x15];
	(tm) =	ssettm $0x1  }
0xf: {  	s19 =	sld [smem:$0x3FFB];
	_ =	sdelay $0x3  }
0x10: {  	_ =	strace s19  }
0x11: {  	s2 =	sld [smem:$0x3FFC];
	_ =	sdelay $0x3  }
0x12: {  	_ =	strace s2  }
0x13: {  	s2 =	sld [smem:$0x3FFD];
	_ =	sdelay $0x3  }
0x14: {  	_ =	strace s2  }
0x15: {  	_ =	strace $0x8FFFFFFF  }
0x16: {  	s20 =	sld [smem:$0x3FDB];
	_ =	sdelay $0x1  }
0x17: {  	s21 =	simm.s32 $_scs_section_size  }
0x18: {  	s5 =	simm.s32 $_size__tile_overlayer_lowered;
	s6 =	simm.s32 $_tile_overlayer_lowered  }
0x19: {  	s7 =	simm.s32 $0x1BFF;
	s22 =	sshll.u32 s6, $0x1;
	s4 =	sadd.s32 s21, s20  }
0x1a: {  	s23 =	simm.s32 $0x0;
	s5 =	sshll.u32 s5, $0x1;
	s6 =	sadd.s32 s22, s4  }
0x1b: {  	[timem:s23], [sflag:s7] =	dma.local [hbm:s6], s5  }
0x1c: {  	_ =	swait.ge [sflag:s7], s5  }
0x1d: {  	s5 =	ssub.s32 $0x0, s5;
	[sflag:s7] =	ssyncset.done $0x0  }
0x1e: {  	[sflag:s7] =	ssyncadd.s32 s5;
	_ =	sdelay $0x1  }
0x1f: {  	s24 =	simm.s32 $0x1B8B  }
0x20: {  	_ =	swait.ge [sflag:s24], $0x1  }
0x21: {  	[sflag:s24] =	ssyncset.done $0x0  }
0x22: {  	[sflag:s24] =	ssyncadd.s32 $0xFFFFFFFF  }
0x23: {  	s5 =	sld [smem:$0x0]  }
0x24: {  	s6 =	sand.u32 $0xFFFFFFFE, s1  }
0x25: {  	p0 =	sne.s32 s1, s6  }
0x26: {  	s6 =	sshll.u32 @p0 s6, $0xE  }
0x27: {  	s6 =	sadd.s32 @p0 $0x11B8D, s6;
	s7 =	sshll.u32 @p0 s5, $0x11  }
0x28: {  	s6 =	sor.u32 @p0 s7, s6  }
0x29: {  	[sflag:s6] =	ssyncadd.remote.s32 @p0 $0x1;
	_ =	sdelay $0x1  }
0x2a: {  	s6 =	simm.s32 @p0 $0x1B8D  }
0x2b: {  	_ =	swait.eq @p0 [sflag:s6], $0x1  }
0x2c: {  	[sflag:s6] =	ssyncadd.s32 @p0 $0xFFFFFFFF  }
0x2d: {  	s7 =	sshll.u32 @!p0 s1, $0xE  }
0x2e: {  	s7 =	sor.u32 @!p0 $0x4000, s7;
	s6 =	simm.s32 @!p0 $0x1B8D  }
0x2f: {  	s5 =	sshll.u32 @!p0 s5, $0x11;
	s7 =	sadd.s32 @!p0 $0x11B8D, s7;
	_ =	swait.eq @!p0 [sflag:s6], $0x1  }
0x30: {  	s5 =	sor.u32 @!p0 s5, s7;
	[sflag:s6] =	ssyncadd.s32 @!p0 $0xFFFFFFFF  }
0x31: {  	s26 =	simm.s32 $0x1B8E;
	s25 =	sld [smem:$0x3FFE];
	[sflag:s5] =	ssyncadd.remote.s32 @!p0 $0x1  }
0x32: {  	s27 =	simm.s32 $execute0_lowered;
	[smem:$0x3FD2] =	sst s26  }
0x33: {  	s6 =	sshll.u32 s27, $0x1;
	_ =	strace $0x8000004C;
	[dreg:$0x1] =	wrdreg $0xFFFFFFFF  }
0x34: {  	s28 =	simm.s32 $_size_execute0_lowered;
	s4 =	sadd.s32 s4, s6;
	[dreg:$0x0] =	wrdreg $0x0  }
0x35: {  	s6 =	sshll.u32 s28, $0x1;
	[dreg:$0x2] =	wrdreg s4  }
0x36: {  	[dreg:$0x3] =	wrdreg s6  }
0x37: {  	[dreg:$0x4] =	wrdreg $0xC0  }
0x38: {  	_ =	task [dreg:s23], $0x5FFFF  }
0x39: {  	[dreg:$0x1] =	wrdreg $0xFFFFFFFF  }
0x3a: {  	[dreg:$0x0] =	wrdreg $0x60  }
0x3b: {  	[dreg:$0x2] =	wrdreg s25  }
0x3c: {  	[dreg:$0x3] =	wrdreg s18  }
0x3d: {  	[dreg:$0x4] =	wrdreg $0x9  }
0x3e: {  	_ =	task.clear_ibuf [dreg:s23], $0x5FFFF;
	_ =	strace $0x9000004C  }
0x3f: {  	s29 =	simm.s32 $0x9;
	_ =	strace $0x8000004E  }
0x40: {  	_ =	swait.ge [sflag:s29], $0x1  }
0x41: {  	[sflag:s29] =	ssyncadd.s32 $0xFFFFFFFF  }
0x42: {  	_ =	strace $0x9000004E  }
0x43: {  	_ =	sfence  }
0x44: {  	s30 =	sld [smem:$0x0];
	_ =	sdelay $0x2  }
0x45: {  	s31 =	sshll.u32 s1, $0xD;
	s1 =	sshrl.u32 s1, $0x2  }
0x46: {  	s4 =	sand.u32 $0x4000, s31;
	s1 =	sadd.s32 s1, s30  }
0x47: {  	s0 =	sor.u32 s4, s0;
	s1 =	sshll.u32 s1, $0x11  }
0x48: {  	s0 =	sor.u32 s1, s0  }
0x49: {  	s0 =	sadd.s32 $0x8F2B, s0  }
0x4a: {  	[sflag:s0] =	ssyncadd.remote.s32 $0x1  }
0x4b: {  	_ =	sfence.sel $0xFFFF  }
0x4c: {  	[dreg:$0x0] =	wrdreg $0xFFFFFFFF;
	(pc) =	sbr.abs _section_cstart, $3  }
0x4d: {  	[dreg:$0x1] =	wrdreg $0xFFFFFFFF  }
0x4e: {  	_ =	task.clear_ibuf [dreg:s23], $0x2FFFF;
	_ =	strace $0x9FFFFFFF  }
0x4f: {  	(tm) =	ssettm $0x7FFFFFFF  }
tec
execute0_lowered:
.L_overlay_start_1:
0x0: {  	(tag) =	ssettag $0x1  }
0x1: {  	s0 =	stileid.u32;
	s4 =	rddreg [dreg:$0x0]  }
0x2: {  	s1 =	srdreg.scid;
	s3 =	rddreg [dreg:$0x1];
	s7 =	simm.s32 $0x1  }
0x3: {  	s31 =	simm.s32 $0x2;
	s2 =	sshll.u32 s0, $0x4;
	s1 =	sshll.u32 s1, $0x8  }
0x4: {  	s15 =	simm.s32 $0x0;
	s9 =	simm.s32 $0x1000;
	s1 =	sor.u32 s2, s1  }
0x5: {  	s14 =	simm.s32 $0x0;
	s16 =	simm.s32 $0x0;
	s2 =	sand.u32 $0x180, s1  }
0x6: {  	s10 =	simm.s32 $0x0;
	s13 =	simm.s32 $0x0;
	s5 =	ssub.s32 $0x200, s2  }
0x7: {  	s4 =	sadd.s32 $0x601200, s4;
	s1 =	rddreg [dreg:$0x2];
	s6 =	sand.u32 $0x180, s5  }
.Ltmp0:
0x8: {  	_ =	strace $0x8000004D;
	p0 =	sne.s32 s6, $0x0;
	(pc) =	sbr.rel .LBB1_1-.Ltmp0, $4  }
0x9: {  	s11 =	smov.u32 s2;
	s8 =	sshrl.u32 s5, $0x9;
	s7 =	simm.s32 @!p0 $0x0  }
0xa: {  	s5 =	sand.u32 $0x7, s0;
	s6 =	simm.s32 $0x1;
	s7 =	sadd.s32 s7, s8  }
0xb: {  	s12 =	smov.u32 s5;
	[sflag:s6] =	ssyncpa.u1 $0x0;
	s7 =	sshll.u32 s7, $0x6  }
0xc: {  	p0 =	por $0x0, $0x0;
	[sflag:s31] =	ssyncpa.u1 $0x0;
	s8 =	sor.u32 $0x1, s7  }
.LBB1_4:
0xd: {  	s16 =	sshll.u32 s16, $0x12  }
0xe: {  	s19 =	sand.u32 $0xF80, s14;
	s15 =	sshll.u32 s15, $0xC;
	s16 =	sadd.s32 s3, s16  }
0xf: {  	[tilespmem:s18+$0x810 ss:$0x81] =	vst.msk $0xffff, v2;
	s20 =	sshrl.u32 s14, $0x3;
	s30 =	sand.u32 $0x7, s14;
	s16 =	sadd.s32 s19, s16  }
0x10: {  	[tilespmem:s18+$0x1020 ss:$0x81] =	vst.msk $0xffff, v0;
	s31 =	sand.u32 $0xF, s20;
	s14 =	sshll.u32 s30, $0x12;
	s15 =	sadd.s32 s15, s16  }
0x11: {  	[tilespmem:s18+$0x0 ss:$0x81] =	vst.msk $0xffff, v1;
	s14 =	sor.u32 $0x400, s14;
	s15 =	sadd.s32 s31, s15  }
0x12: {  	[hbm4b:s15+s14] =	stream.strided.scatter [tilespmem:s17], [sflag:$0x2], $0x2000, s9, s14, $0x20;
	[tilespmem:$0x8080] =	vst v63  }
.LBB1_5:
0x13: {  	s17 =	sadd.s32 $0x1, s10  }
0x14: {  	s14 =	sadd.s32 $0x200, s11;
	s18 =	smov.u32 s11;
	p2 =	sgt.s32 s17, $0x3F  }
0x15: {  	s18 =	smov.u32 @p2 s14  }
0x16: {  	s20 =	smov.u32 s12;
	s14 =	sadd.s32 $0x8, s12;
	p3 =	sgt.s32 s18, $0x1FF  }
0x17: {  	s20 =	smov.u32 @p3 s14  }
0x18: {  	s17 =	simm.s32 @p2 $0x0;
	p2 =	sgt.s32 s20, $0x7  }
0x19: {  	p1 =	slt.u32 s13, $0x2;
	s20 =	smov.u32 @p2 s5;
	p2 =	sne.s32 s13, s8  }
.Ltmp1:
0x1a: {  	s19 =	simm.s32 @!p1 $0x2;
	(pc) =	sbr.rel @!p2 .LBB1_6-.Ltmp1, $4  }
0x1b: {  	s15 =	smov.u32 s10;
	s16 =	smov.u32 s12;
	_ =	swait.ge @!p1 [sflag:s19], $0x2000  }
0x1c: {  	p0 =	por !p0, !p0;
	[sflag:s19] =	ssyncset.done @!p1 $0x0;
	s10 =	smov.u32 s17  }
0x1d: {  	s18 =	smov.u32 @p3 s2;
	s14 =	smov.u32 s11;
	[sflag:s19] =	ssyncadd.s32 @!p1 $0xFFFFE000  }
0x1e: {  	s11 =	smov.u32 s18;
	s13 =	sadd.s32 $0x1, s13;
	s12 =	smov.u32 s20  }
.LBB1_1:
0x1f: {  	p1 =	sge.u32 s13, s7;
	s31 =	sadd.s32 $0xFFFFFFFF, s13  }
0x20: {  	s17 =	sxor.u32 @!p1 $0xFFFFFFFF, s13;
	s18 =	sshll.u32 @!p1 s12, $0x13;
	s19 =	sshll.u32 @!p1 s11, $0xA  }
0x21: {  	s20 =	sshll.u32 @!p1 s10, $0x4;
	s17 =	sshll.u32 @!p1 s17, $0xD;
	s18 =	sadd.s32 @!p1 s4, s18  }
0x22: {  	s20 =	sand.u32 @!p1 $0x3F0, s20;
	s17 =	sand.u32 @!p1 $0x2000, s17;
	s18 =	sadd.s32 @!p1 s19, s18  }
0x23: {  	s19 =	simm.s32 @!p1 $0x40;
	s18 =	sadd.s32 @!p1 s20, s18;
	s20 =	simm.s32 @!p1 $0x2000  }
0x24: {  	[tilespmem:s17], [sflag:$0x1] =	stream.strided.gather @!p1 [hbm4b:s18+s19], $0x2000, s20, s19, $0x38;
	[tilespmem:$0x8080] =	vst v63  }
0x25: {  	p1 =	sge.u32 s31, s7  }
.Ltmp2:
0x26: {  	_ = 	snop;
	(pc) =	sbr.rel @p1 .LBB1_5-.Ltmp2, $1  }
0x27: {  	_ =	sdelay $0x3  }
0x28: {  	s17 =	simm.s32 $0x1  }
0x29: {  	_ =	swait.ge [sflag:s6], $0x2000;
	s17 =	simm.s32 @!p0 $0x0  }
0x2a: {  	[sflag:s6] =	ssyncset.done $0x0;
	s18 =	sshll.u32 s17, $0xD  }
0x2b: {  	[sflag:s6] =	ssyncadd.s32 $0xFFFFE000;
	s21 =	sor.u32 $0x20, s18  }
0x2c: {  	s17 =	smul.u32 $0x8100, s17;
	v3 =	vld [tilespmem:s21+$0x10]  }
0x2d: {  	s30 =	sand.u32 $0x1, s13;
	v2 =	vld [tilespmem:s21+$0xFFFFFFF0]  }
0x2e: {  	s18 =	smul.u32 $0x8100, s30;
	s17 =	sshrl.u32 s17, $0x2;
	v0 =	vld [tilespmem:s21+$0x0]  }
0x2f: {  	v1 =	vld [tilespmem:s21+$0xFFFFFFE0];
	s19 =	sor.u32 $0x4000, s17  }
0x30: {  	s31 =	sshrl.u32 s18, $0x2;
	s18 =	sadd.s32 $0x0, s19  }
0x31: {  	s20 =	simm.s32 $0x4;
	s21 =	sadd.s32 $0x40, s21;
	s17 =	sor.u32 $0x4000, s31;
	[tilespmem:s18+$0x1830 ss:$0x81] =	vst.msk $0xffff, v3  }
.LBB1_3:
0x32: {  	v3 =	vld [tilespmem:s21+$0x10];
	p1 =	sne.s32 s20, $0x1FC;
	[tilespmem:s18+$0x810 ss:$0x81] =	vst.msk $0xffff, v2;
	s22 =	smov.u32 s20;
	s20 =	sadd.s32 $0x4, s20  }
.Ltmp3:
0x33: {  	v2 =	vld [tilespmem:s21+$0xFFFFFFF0];
	[tilespmem:s18+$0x1020 ss:$0x81] =	vst.msk $0xffff, v0;
	(pc) =	sbr.rel @p1 .LBB1_3-.Ltmp3, $4  }
0x34: {  	v0 =	vld [tilespmem:s21+$0x0];
	[tilespmem:s18+$0x0 ss:$0x81] =	vst.msk $0xffff, v1  }
0x35: {  	s18 =	sshra.s32 s22, $0x2;
	v1 =	vld [tilespmem:s21+$0xFFFFFFE0]  }
0x36: {  	s18 =	sadd.s32 s18, s19  }
0x37: {  	s21 =	sadd.s32 $0x40, s21;
	[tilespmem:s18+$0x1830 ss:$0x81] =	vst.msk $0xffff, v3  }
.Ltmp4:
0x38: {  	_ = 	snop;
	(pc) =	sbr.rel .LBB1_4-.Ltmp4, $1  }
0x39: {  	_ =	sdelay $0x3  }
.LBB1_6:
0x3a: {  	_ =	sfence.sel $0x180000  }
0x3b: {  	s2 =	simm.s32 $0x1;
	[bflag:$0x0] =	sbarrier.arrive $0xFFFF  }
0x3c: {  	s31 =	simm.s32 $0x2;
	[sflag:s2] =	ssyncpa.u1 $0x1  }
0x3d: {  	[sflag:s31] =	ssyncpa.u1 $0x1  }
0x3e: {  	p0 =	sne.s32 s0, $0x0;
	_ =	strace $0x9000004D  }
0x3f: {  	s0 =	sadd.s32 @!p0 $0x100000, s1;
	[bflag:$0x2] =	sbarrier.arrive $0xFFFF  }
0x40: {  	[sflag:s0] =	ssyncadd.tile.s32 @!p0 $0x1;
	_ =	shalt  }
.Lfunc_end1:
_tile_overlayer_lowered:
.L_overlay_start_2:
0x41: {  	(tag) =	ssettag $0x2  }
0x42: {  	s0 =	rddreg [dreg:$0x0];
	s2 =	stileid.u32  }
0x43: {  	s1 =	rddreg [dreg:$0x1];
	p0 =	sne.s32 s2, $0x0  }
0x44: {  	s3 =	rddreg [dreg:$0x2];
	[bflag:$0x3] =	sbarrier.arrive $0xFFFF;
	s2 =	simm.s32 @!p0 $0x1C01  }
0x45: {  	[timem:s3], [sflag:s2] =	dma.local @!p0 [hbm:s0], s1  }
0x46: {  	s0 =	simm.s32 @!p0 $0x1  }
0x47: {  	_ =	swait.ge @!p0 [sflag:s0], s1  }
0x48: {  	s1 =	ssub.s32 @!p0 $0x0, s1;
	[sflag:s0] =	ssyncset.done @!p0 $0x0  }
0x49: {  	[sflag:s0] =	ssyncadd.s32 @!p0 s1  }
0x4a: {  	[bflag:$0x3] =	sbarrier.arrive $0xFFFF  }
0x4b: {  	_ =	shalt  }

</sc_bundles>
